<compile_context>
chip_gen: v7x
topology: tpu7x:2x2x1
jax: 0.10.2.dev20260603
libtpu: 0.0.44.dev20260713+nightly
codegen_flags: <defaults>
</compile_context>

<pallas_src>
import functools

import jax
import jax.numpy as jnp
from jax import lax
from jax.experimental import pallas as pl
from jax.experimental.pallas import tpu as pltpu
from jax.experimental.pallas import tpu_sc as plsc

VOCAB = 1000000
EMBED = 64
BATCH = 16384
HIST = 50

NW = 32
TOTAL = BATCH * HIST
R_PER_W = TOTAL // NW
C = 128
NCHUNK = R_PER_W // C
K = 8
NGROUP = NCHUNK // K


@functools.partial(
    pl.kernel,
    mesh=plsc.VectorSubcoreMesh(core_axis_name="c", subcore_axis_name="s"),
    out_type=jax.ShapeDtypeStruct((TOTAL, EMBED), jnp.float32),
    scratch_types=[
        pltpu.VMEM((NCHUNK, C), jnp.int32),
        pltpu.VMEM((K, C, EMBED), jnp.float32),
        pltpu.SemaphoreType.DMA,
        pltpu.SemaphoreType.DMA,
    ],
    compiler_params=pltpu.CompilerParams(use_tc_tiling_on_sc=False),
)
def _gather_rows(idx_hbm, table_hbm, out_hbm, idx_v, rows_v, gsem, ssem):
    cid = lax.axis_index("c")
    sid = lax.axis_index("s")
    wid = sid * 2 + cid
    pltpu.sync_copy(idx_hbm.at[wid], idx_v)
    base = wid * R_PER_W

    def group(g, carry):
        j0 = g * K
        gathers = []
        for b in range(K):
            gathers.append(
                pltpu.async_copy(table_hbm.at[idx_v.at[j0 + b]], rows_v.at[b], gsem)
            )
        stores = []
        for b in range(K):
            gathers[b].wait()
            stores.append(
                pltpu.async_copy(
                    rows_v.at[b], out_hbm.at[pl.ds(base + (j0 + b) * C, C)], ssem
                )
            )
        for b in range(K):
            stores[b].wait()
        return carry

    lax.fori_loop(0, NGROUP, group, 0)


def kernel(data, ivectors, ovectors):
    idx = data.reshape(TOTAL).astype(jnp.int32).reshape(NW, NCHUNK, C)
    flat = _gather_rows(idx, ivectors)
    return flat.reshape(BATCH, HIST, EMBED)

# --- scband reference (transcript-rebuilt; emitter-appended) ---
"""Pipeline reference for scband-word2-vec-61967788146844 (READ-ONLY COPY).

The authoritative reference and input builder live on the scoring server;
editing this copy changes nothing except your own understanding.
"""

import jax, jax.numpy as jnp
import numpy as np

VOCAB = 1000000
EMBED = 64
BATCH = 16384
HIST = 50

def setup_inputs(seed: int = 0) -> dict:
    key = jax.random.key(seed)
    k_idx, k_iv, k_ov = jax.random.split(key, 3)
    data = jax.random.randint(k_idx, (BATCH, HIST), 0, VOCAB, dtype=jnp.int64 if jax.config.jax_enable_x64 else jnp.int32)
    bound = 0.5 / EMBED
    ivectors = jnp.concatenate([
        jnp.zeros((1, EMBED), dtype=jnp.float32),
        jax.random.uniform(k_iv, (VOCAB - 1, EMBED), minval=-bound, maxval=bound, dtype=jnp.float32),
    ], axis=0)
    ovectors = jnp.concatenate([
        jnp.zeros((1, EMBED), dtype=jnp.float32),
        jax.random.uniform(k_ov, (VOCAB - 1, EMBED), minval=-bound, maxval=bound, dtype=jnp.float32),
    ], axis=0)
    return {"data": data, "ivectors": ivectors, "ovectors": ovectors}

def reference(data, ivectors, ovectors):
    # Word2Vec.forward -> forward_i: embedding lookup into input-vector table.
    # ovectors exists as a parameter but is unused in forward().
    return jnp.take(ivectors, data, axis=0)

if __name__ == "__main__":
    import jax
    _d = setup_inputs()
    print(jax.jit(kernel)(*tuple(_d.values())))

</pallas_src>

<mosaic_0001>
#map = affine_map<(d0, d1) -> (0, 0, 0)>
#map1 = affine_map<(d0, d1) -> (0, 0)>
module attributes {stable_mosaic.version = 14 : i64} {
  func.func @_gather_rows(%arg0: i32, %arg1: i32, %arg2: memref<32x200x128xi32, #tpu.memory_space<hbm>>, %arg3: memref<1000000x64xf32, #tpu.memory_space<hbm>>, %arg4: memref<819200x64xf32, #tpu.memory_space<hbm>>, %arg5: memref<200x128xi32, #tpu.memory_space<vmem>>, %arg6: memref<8x128x64xf32, #tpu.memory_space<vmem>>, %arg7: memref<!tpu.dma_semaphore, #tpu.memory_space<semaphore_mem>>, %arg8: memref<!tpu.dma_semaphore, #tpu.memory_space<semaphore_mem>>) attributes {dimension_semantics = [#tpu.dimension_semantics<core_parallel>, #tpu.dimension_semantics<subcore_parallel>], iteration_bounds = array<i64: 2, 16>, scalar_prefetch = 0 : i64, scratch_operands = 4 : i64, tpu.core_type = #tpu.core_type<sc_vector_subcore>, window_params = [{transform_indices = #map}, {transform_indices = #map1}, {transform_indices = #map1}]} {
    %mul3A = arith.constant 2 : i32
    %mul3A_0 = arith.muli %arg1, %mul3A : i32
    %add3A = arith.addi %mul3A_0, %arg0 : i32
    "tpu.region"() ({
      %run_scoped3A = tpu.sem_alloc : memref<!tpu.dma_semaphore, #tpu.memory_space<semaphore_mem>>
      %dma_start3A = arith.constant 0 : i32
      %dma_start3A_8 = arith.constant 0 : i32
      %dma_start3A_9 = tpu.memref_slice %arg2[%add3A, %dma_start3A, %dma_start3A_8] : memref<32x200x128xi32, #tpu.memory_space<hbm>> -> memref<1x200x128xi32, #tpu.memory_space<hbm>>
      %dma_start3A_10 = tpu.memref_squeeze %dma_start3A_9 : memref<1x200x128xi32, #tpu.memory_space<hbm>> -> memref<200x128xi32, #tpu.memory_space<hbm>>
      %dma_start3A_11 = arith.constant 0 : i32
      %dma_start3A_12 = arith.constant 0 : i32
      %dma_start3A_13 = tpu.memref_slice %arg2[%add3A, %dma_start3A_11, %dma_start3A_12] : memref<32x200x128xi32, #tpu.memory_space<hbm>> -> memref<1x200x128xi32, #tpu.memory_space<hbm>>
      %dma_start3A_14 = tpu.memref_squeeze %dma_start3A_13 : memref<1x200x128xi32, #tpu.memory_space<hbm>> -> memref<200x128xi32, #tpu.memory_space<hbm>>
      tpu.enqueue_dma source(%dma_start3A_14 : memref<200x128xi32, #tpu.memory_space<hbm>>) target(%arg5 : memref<200x128xi32, #tpu.memory_space<vmem>>) target_semaphore(%run_scoped3A : memref<!tpu.dma_semaphore, #tpu.memory_space<semaphore_mem>>)
      %dma_wait3A = arith.constant 0 : i32
      %dma_wait3A_15 = arith.constant 0 : i32
      %dma_wait3A_16 = tpu.memref_slice %arg2[%add3A, %dma_wait3A, %dma_wait3A_15] : memref<32x200x128xi32, #tpu.memory_space<hbm>> -> memref<1x200x128xi32, #tpu.memory_space<hbm>>
      %dma_wait3A_17 = tpu.memref_squeeze %dma_wait3A_16 : memref<1x200x128xi32, #tpu.memory_space<hbm>> -> memref<200x128xi32, #tpu.memory_space<hbm>>
      %dma_wait3A_18 = arith.constant 0 : i32
      %dma_wait3A_19 = arith.constant 0 : i32
      %dma_wait3A_20 = tpu.memref_slice %arg2[%add3A, %dma_wait3A_18, %dma_wait3A_19] : memref<32x200x128xi32, #tpu.memory_space<hbm>> -> memref<1x200x128xi32, #tpu.memory_space<hbm>>
      %dma_wait3A_21 = tpu.memref_squeeze %dma_wait3A_20 : memref<1x200x128xi32, #tpu.memory_space<hbm>> -> memref<200x128xi32, #tpu.memory_space<hbm>>
      tpu.wait_dma2 semaphore(%run_scoped3A : memref<!tpu.dma_semaphore, #tpu.memory_space<semaphore_mem>>) src(%dma_wait3A_21 : memref<200x128xi32, #tpu.memory_space<hbm>>) dst(%arg5 : memref<200x128xi32, #tpu.memory_space<vmem>>)
      tpu.yield
    }) : () -> ()
    %mul3A_1 = arith.constant 25600 : i32
    %mul3A_2 = arith.muli %add3A, %mul3A_1 : i32
    %scan3A = arith.constant 0 : i32
    %scan3A_3 = arith.constant 0 : i32
    %scan3A_4 = arith.constant 25 : i32
    %scan3A_5 = arith.addi %scan3A_3, %scan3A_4 : i32
    %scan3A_6 = arith.constant 1 : i32
    scf.for %scan3A_8 = %scan3A_3 to %scan3A_5 step %scan3A_6  : i32 {
      %mul3A_9 = arith.constant 8 : i32
      %mul3A_10 = arith.muli %scan3A_8, %mul3A_9 : i32
      %add3A_11 = arith.constant 0 : i32
      %add3A_12 = arith.addi %mul3A_10, %add3A_11 : i32
      %dma_start3A = arith.constant 0 : i32
      %dma_start3A_13 = arith.constant 0 : i32
      %dma_start3A_14 = arith.constant 0 : i32
      %dma_start3A_15 = tpu.memref_slice %arg6[%dma_start3A, %dma_start3A_13, %dma_start3A_14] : memref<8x128x64xf32, #tpu.memory_space<vmem>> -> memref<1x128x64xf32, #tpu.memory_space<vmem>>
      %dma_start3A_16 = tpu.memref_squeeze %dma_start3A_15 : memref<1x128x64xf32, #tpu.memory_space<vmem>> -> memref<128x64xf32, #tpu.memory_space<vmem>>
      %dma_start3A_17 = arith.constant 0 : i32
      %dma_start3A_18 = tpu.memref_slice %arg5[%add3A_12, %dma_start3A_17] : memref<200x128xi32, #tpu.memory_space<vmem>> -> memref<1x128xi32, #tpu.memory_space<vmem>>
      %dma_start3A_19 = tpu.memref_squeeze %dma_start3A_18 : memref<1x128xi32, #tpu.memory_space<vmem>> -> memref<128xi32, #tpu.memory_space<vmem>>
      %dma_start3A_20 = arith.constant 0 : i32
      %dma_start3A_21 = arith.constant 0 : i32
      %dma_start3A_22 = tpu.memref_slice %arg3[%dma_start3A_20, %dma_start3A_21] : memref<1000000x64xf32, #tpu.memory_space<hbm>> -> memref<1000000x64xf32, #tpu.memory_space<hbm>>
      tpu.enqueue_indirect_dma source(%dma_start3A_22 : memref<1000000x64xf32, #tpu.memory_space<hbm>>) target(%dma_start3A_16 : memref<128x64xf32, #tpu.memory_space<vmem>>) offsets(%dma_start3A_19 : memref<128xi32, #tpu.memory_space<vmem>>) semaphore(%arg7 : memref<!tpu.dma_semaphore, #tpu.memory_space<semaphore_mem>>)
      %add3A_23 = arith.constant 1 : i32
      %add3A_24 = arith.addi %mul3A_10, %add3A_23 : i32
      %dma_start3A_25 = arith.constant 1 : i32
      %dma_start3A_26 = arith.constant 0 : i32
      %dma_start3A_27 = arith.constant 0 : i32
      %dma_start3A_28 = tpu.memref_slice %arg6[%dma_start3A_25, %dma_start3A_26, %dma_start3A_27] : memref<8x128x64xf32, #tpu.memory_space<vmem>> -> memref<1x128x64xf32, #tpu.memory_space<vmem>>
      %dma_start3A_29 = tpu.memref_squeeze %dma_start3A_28 : memref<1x128x64xf32, #tpu.memory_space<vmem>> -> memref<128x64xf32, #tpu.memory_space<vmem>>
      %dma_start3A_30 = arith.constant 0 : i32
      %dma_start3A_31 = tpu.memref_slice %arg5[%add3A_24, %dma_start3A_30] : memref<200x128xi32, #tpu.memory_space<vmem>> -> memref<1x128xi32, #tpu.memory_space<vmem>>
      %dma_start3A_32 = tpu.memref_squeeze %dma_start3A_31 : memref<1x128xi32, #tpu.memory_space<vmem>> -> memref<128xi32, #tpu.memory_space<vmem>>
      %dma_start3A_33 = arith.constant 0 : i32
      %dma_start3A_34 = arith.constant 0 : i32
      %dma_start3A_35 = tpu.memref_slice %arg3[%dma_start3A_33, %dma_start3A_34] : memref<1000000x64xf32, #tpu.memory_space<hbm>> -> memref<1000000x64xf32, #tpu.memory_space<hbm>>
      tpu.enqueue_indirect_dma source(%dma_start3A_35 : memref<1000000x64xf32, #tpu.memory_space<hbm>>) target(%dma_start3A_29 : memref<128x64xf32, #tpu.memory_space<vmem>>) offsets(%dma_start3A_32 : memref<128xi32, #tpu.memory_space<vmem>>) semaphore(%arg7 : memref<!tpu.dma_semaphore, #tpu.memory_space<semaphore_mem>>)
      %add3A_36 = arith.constant 2 : i32
      %add3A_37 = arith.addi %mul3A_10, %add3A_36 : i32
      %dma_start3A_38 = arith.constant 2 : i32
      %dma_start3A_39 = arith.constant 0 : i32
      %dma_start3A_40 = arith.constant 0 : i32
      %dma_start3A_41 = tpu.memref_slice %arg6[%dma_start3A_38, %dma_start3A_39, %dma_start3A_40] : memref<8x128x64xf32, #tpu.memory_space<vmem>> -> memref<1x128x64xf32, #tpu.memory_space<vmem>>
      %dma_start3A_42 = tpu.memref_squeeze %dma_start3A_41 : memref<1x128x64xf32, #tpu.memory_space<vmem>> -> memref<128x64xf32, #tpu.memory_space<vmem>>
      %dma_start3A_43 = arith.constant 0 : i32
      %dma_start3A_44 = tpu.memref_slice %arg5[%add3A_37, %dma_start3A_43] : memref<200x128xi32, #tpu.memory_space<vmem>> -> memref<1x128xi32, #tpu.memory_space<vmem>>
      %dma_start3A_45 = tpu.memref_squeeze %dma_start3A_44 : memref<1x128xi32, #tpu.memory_space<vmem>> -> memref<128xi32, #tpu.memory_space<vmem>>
      %dma_start3A_46 = arith.constant 0 : i32
      %dma_start3A_47 = arith.constant 0 : i32
      %dma_start3A_48 = tpu.memref_slice %arg3[%dma_start3A_46, %dma_start3A_47] : memref<1000000x64xf32, #tpu.memory_space<hbm>> -> memref<1000000x64xf32, #tpu.memory_space<hbm>>
      tpu.enqueue_indirect_dma source(%dma_start3A_48 : memref<1000000x64xf32, #tpu.memory_space<hbm>>) target(%dma_start3A_42 : memref<128x64xf32, #tpu.memory_space<vmem>>) offsets(%dma_start3A_45 : memref<128xi32, #tpu.memory_space<vmem>>) semaphore(%arg7 : memref<!tpu.dma_semaphore, #tpu.memory_space<semaphore_mem>>)
      %add3A_49 = arith.constant 3 : i32
      %add3A_50 = arith.addi %mul3A_10, %add3A_49 : i32
      %dma_start3A_51 = arith.constant 3 : i32
      %dma_start3A_52 = arith.constant 0 : i32
      %dma_start3A_53 = arith.constant 0 : i32
      %dma_start3A_54 = tpu.memref_slice %arg6[%dma_start3A_51, %dma_start3A_52, %dma_start3A_53] : memref<8x128x64xf32, #tpu.memory_space<vmem>> -> memref<1x128x64xf32, #tpu.memory_space<vmem>>
      %dma_start3A_55 = tpu.memref_squeeze %dma_start3A_54 : memref<1x128x64xf32, #tpu.memory_space<vmem>> -> memref<128x64xf32, #tpu.memory_space<vmem>>
      %dma_start3A_56 = arith.constant 0 : i32
      %dma_start3A_57 = tpu.memref_slice %arg5[%add3A_50, %dma_start3A_56] : memref<200x128xi32, #tpu.memory_space<vmem>> -> memref<1x128xi32, #tpu.memory_space<vmem>>
      %dma_start3A_58 = tpu.memref_squeeze %dma_start3A_57 : memref<1x128xi32, #tpu.memory_space<vmem>> -> memref<128xi32, #tpu.memory_space<vmem>>
      %dma_start3A_59 = arith.constant 0 : i32
      %dma_start3A_60 = arith.constant 0 : i32
      %dma_start3A_61 = tpu.memref_slice %arg3[%dma_start3A_59, %dma_start3A_60] : memref<1000000x64xf32, #tpu.memory_space<hbm>> -> memref<1000000x64xf32, #tpu.memory_space<hbm>>
      tpu.enqueue_indirect_dma source(%dma_start3A_61 : memref<1000000x64xf32, #tpu.memory_space<hbm>>) target(%dma_start3A_55 : memref<128x64xf32, #tpu.memory_space<vmem>>) offsets(%dma_start3A_58 : memref<128xi32, #tpu.memory_space<vmem>>) semaphore(%arg7 : memref<!tpu.dma_semaphore, #tpu.memory_space<semaphore_mem>>)
      %add3A_62 = arith.constant 4 : i32
      %add3A_63 = arith.addi %mul3A_10, %add3A_62 : i32
      %dma_start3A_64 = arith.constant 4 : i32
      %dma_start3A_65 = arith.constant 0 : i32
      %dma_start3A_66 = arith.constant 0 : i32
      %dma_start3A_67 = tpu.memref_slice %arg6[%dma_start3A_64, %dma_start3A_65, %dma_start3A_66] : memref<8x128x64xf32, #tpu.memory_space<vmem>> -> memref<1x128x64xf32, #tpu.memory_space<vmem>>
      %dma_start3A_68 = tpu.memref_squeeze %dma_start3A_67 : memref<1x128x64xf32, #tpu.memory_space<vmem>> -> memref<128x64xf32, #tpu.memory_space<vmem>>
      %dma_start3A_69 = arith.constant 0 : i32
      %dma_start3A_70 = tpu.memref_slice %arg5[%add3A_63, %dma_start3A_69] : memref<200x128xi32, #tpu.memory_space<vmem>> -> memref<1x128xi32, #tpu.memory_space<vmem>>
      %dma_start3A_71 = tpu.memref_squeeze %dma_start3A_70 : memref<1x128xi32, #tpu.memory_space<vmem>> -> memref<128xi32, #tpu.memory_space<vmem>>
      %dma_start3A_72 = arith.constant 0 : i32
      %dma_start3A_73 = arith.constant 0 : i32
      %dma_start3A_74 = tpu.memref_slice %arg3[%dma_start3A_72, %dma_start3A_73] : memref<1000000x64xf32, #tpu.memory_space<hbm>> -> memref<1000000x64xf32, #tpu.memory_space<hbm>>
      tpu.enqueue_indirect_dma source(%dma_start3A_74 : memref<1000000x64xf32, #tpu.memory_space<hbm>>) target(%dma_start3A_68 : memref<128x64xf32, #tpu.memory_space<vmem>>) offsets(%dma_start3A_71 : memref<128xi32, #tpu.memory_space<vmem>>) semaphore(%arg7 : memref<!tpu.dma_semaphore, #tpu.memory_space<semaphore_mem>>)
      %add3A_75 = arith.constant 5 : i32
      %add3A_76 = arith.addi %mul3A_10, %add3A_75 : i32
      %dma_start3A_77 = arith.constant 5 : i32
      %dma_start3A_78 = arith.constant 0 : i32
      %dma_start3A_79 = arith.constant 0 : i32
      %dma_start3A_80 = tpu.memref_slice %arg6[%dma_start3A_77, %dma_start3A_78, %dma_start3A_79] : memref<8x128x64xf32, #tpu.memory_space<vmem>> -> memref<1x128x64xf32, #tpu.memory_space<vmem>>
      %dma_start3A_81 = tpu.memref_squeeze %dma_start3A_80 : memref<1x128x64xf32, #tpu.memory_space<vmem>> -> memref<128x64xf32, #tpu.memory_space<vmem>>
      %dma_start3A_82 = arith.constant 0 : i32
      %dma_start3A_83 = tpu.memref_slice %arg5[%add3A_76, %dma_start3A_82] : memref<200x128xi32, #tpu.memory_space<vmem>> -> memref<1x128xi32, #tpu.memory_space<vmem>>
      %dma_start3A_84 = tpu.memref_squeeze %dma_start3A_83 : memref<1x128xi32, #tpu.memory_space<vmem>> -> memref<128xi32, #tpu.memory_space<vmem>>
      %dma_start3A_85 = arith.constant 0 : i32
      %dma_start3A_86 = arith.constant 0 : i32
      %dma_start3A_87 = tpu.memref_slice %arg3[%dma_start3A_85, %dma_start3A_86] : memref<1000000x64xf32, #tpu.memory_space<hbm>> -> memref<1000000x64xf32, #tpu.memory_space<hbm>>
      tpu.enqueue_indirect_dma source(%dma_start3A_87 : memref<1000000x64xf32, #tpu.memory_space<hbm>>) target(%dma_start3A_81 : memref<128x64xf32, #tpu.memory_space<vmem>>) offsets(%dma_start3A_84 : memref<128xi32, #tpu.memory_space<vmem>>) semaphore(%arg7 : memref<!tpu.dma_semaphore, #tpu.memory_space<semaphore_mem>>)
      %add3A_88 = arith.constant 6 : i32
      %add3A_89 = arith.addi %mul3A_10, %add3A_88 : i32
      %dma_start3A_90 = arith.constant 6 : i32
      %dma_start3A_91 = arith.constant 0 : i32
      %dma_start3A_92 = arith.constant 0 : i32
      %dma_start3A_93 = tpu.memref_slice %arg6[%dma_start3A_90, %dma_start3A_91, %dma_start3A_92] : memref<8x128x64xf32, #tpu.memory_space<vmem>> -> memref<1x128x64xf32, #tpu.memory_space<vmem>>
      %dma_start3A_94 = tpu.memref_squeeze %dma_start3A_93 : memref<1x128x64xf32, #tpu.memory_space<vmem>> -> memref<128x64xf32, #tpu.memory_space<vmem>>
      %dma_start3A_95 = arith.constant 0 : i32
      %dma_start3A_96 = tpu.memref_slice %arg5[%add3A_89, %dma_start3A_95] : memref<200x128xi32, #tpu.memory_space<vmem>> -> memref<1x128xi32, #tpu.memory_space<vmem>>
      %dma_start3A_97 = tpu.memref_squeeze %dma_start3A_96 : memref<1x128xi32, #tpu.memory_space<vmem>> -> memref<128xi32, #tpu.memory_space<vmem>>
      %dma_start3A_98 = arith.constant 0 : i32
      %dma_start3A_99 = arith.constant 0 : i32
      %dma_start3A_100 = tpu.memref_slice %arg3[%dma_start3A_98, %dma_start3A_99] : memref<1000000x64xf32, #tpu.memory_space<hbm>> -> memref<1000000x64xf32, #tpu.memory_space<hbm>>
      tpu.enqueue_indirect_dma source(%dma_start3A_100 : memref<1000000x64xf32, #tpu.memory_space<hbm>>) target(%dma_start3A_94 : memref<128x64xf32, #tpu.memory_space<vmem>>) offsets(%dma_start3A_97 : memref<128xi32, #tpu.memory_space<vmem>>) semaphore(%arg7 : memref<!tpu.dma_semaphore, #tpu.memory_space<semaphore_mem>>)
      %add3A_101 = arith.constant 7 : i32
      %add3A_102 = arith.addi %mul3A_10, %add3A_101 : i32
      %dma_start3A_103 = arith.constant 7 : i32
      %dma_start3A_104 = arith.constant 0 : i32
      %dma_start3A_105 = arith.constant 0 : i32
      %dma_start3A_106 = tpu.memref_slice %arg6[%dma_start3A_103, %dma_start3A_104, %dma_start3A_105] : memref<8x128x64xf32, #tpu.memory_space<vmem>> -> memref<1x128x64xf32, #tpu.memory_space<vmem>>
      %dma_start3A_107 = tpu.memref_squeeze %dma_start3A_106 : memref<1x128x64xf32, #tpu.memory_space<vmem>> -> memref<128x64xf32, #tpu.memory_space<vmem>>
      %dma_start3A_108 = arith.constant 0 : i32
      %dma_start3A_109 = tpu.memref_slice %arg5[%add3A_102, %dma_start3A_108] : memref<200x128xi32, #tpu.memory_space<vmem>> -> memref<1x128xi32, #tpu.memory_space<vmem>>
      %dma_start3A_110 = tpu.memref_squeeze %dma_start3A_109 : memref<1x128xi32, #tpu.memory_space<vmem>> -> memref<128xi32, #tpu.memory_space<vmem>>
      %dma_start3A_111 = arith.constant 0 : i32
      %dma_start3A_112 = arith.constant 0 : i32
      %dma_start3A_113 = tpu.memref_slice %arg3[%dma_start3A_111, %dma_start3A_112] : memref<1000000x64xf32, #tpu.memory_space<hbm>> -> memref<1000000x64xf32, #tpu.memory_space<hbm>>
      tpu.enqueue_indirect_dma source(%dma_start3A_113 : memref<1000000x64xf32, #tpu.memory_space<hbm>>) target(%dma_start3A_107 : memref<128x64xf32, #tpu.memory_space<vmem>>) offsets(%dma_start3A_110 : memref<128xi32, #tpu.memory_space<vmem>>) semaphore(%arg7 : memref<!tpu.dma_semaphore, #tpu.memory_space<semaphore_mem>>)
      %dma_wait3A = arith.constant 0 : i32
      %dma_wait3A_114 = arith.constant 0 : i32
      %dma_wait3A_115 = arith.constant 0 : i32
      %dma_wait3A_116 = tpu.memref_slice %arg6[%dma_wait3A, %dma_wait3A_114, %dma_wait3A_115] : memref<8x128x64xf32, #tpu.memory_space<vmem>> -> memref<1x128x64xf32, #tpu.memory_space<vmem>>
      %dma_wait3A_117 = tpu.memref_squeeze %dma_wait3A_116 : memref<1x128x64xf32, #tpu.memory_space<vmem>> -> memref<128x64xf32, #tpu.memory_space<vmem>>
      %dma_wait3A_118 = arith.constant 0 : i32
      %dma_wait3A_119 = tpu.memref_slice %arg5[%add3A_12, %dma_wait3A_118] : memref<200x128xi32, #tpu.memory_space<vmem>> -> memref<1x128xi32, #tpu.memory_space<vmem>>
      %dma_wait3A_120 = tpu.memref_squeeze %dma_wait3A_119 : memref<1x128xi32, #tpu.memory_space<vmem>> -> memref<128xi32, #tpu.memory_space<vmem>>
      %dma_wait3A_121 = arith.constant 0 : i32
      %dma_wait3A_122 = arith.constant 0 : i32
      %dma_wait3A_123 = tpu.memref_slice %arg3[%dma_wait3A_121, %dma_wait3A_122] : memref<1000000x64xf32, #tpu.memory_space<hbm>> -> memref<1000000x64xf32, #tpu.memory_space<hbm>>
      tpu.wait_indirect_dma semaphore(%arg7 : memref<!tpu.dma_semaphore, #tpu.memory_space<semaphore_mem>>) src(%dma_wait3A_123 : memref<1000000x64xf32, #tpu.memory_space<hbm>>) dst(%dma_wait3A_117 : memref<128x64xf32, #tpu.memory_space<vmem>>)
      %add3A_124 = arith.constant 0 : i32
      %add3A_125 = arith.addi %mul3A_10, %add3A_124 : i32
      %mul3A_126 = arith.constant 128 : i32
      %mul3A_127 = arith.muli %add3A_125, %mul3A_126 : i32
      %add3A_128 = arith.addi %mul3A_2, %mul3A_127 : i32
      %dma_start3A_129 = arith.constant 0 : i32
      %dma_start3A_130 = arith.constant 0 : i32
      %dma_start3A_131 = arith.constant 0 : i32
      %dma_start3A_132 = tpu.memref_slice %arg6[%dma_start3A_129, %dma_start3A_130, %dma_start3A_131] : memref<8x128x64xf32, #tpu.memory_space<vmem>> -> memref<1x128x64xf32, #tpu.memory_space<vmem>>
      %dma_start3A_133 = tpu.memref_squeeze %dma_start3A_132 : memref<1x128x64xf32, #tpu.memory_space<vmem>> -> memref<128x64xf32, #tpu.memory_space<vmem>>
      %dma_start3A_134 = arith.constant 0 : i32
      %dma_start3A_135 = tpu.memref_slice %arg4[%add3A_128, %dma_start3A_134] : memref<819200x64xf32, #tpu.memory_space<hbm>> -> memref<128x64xf32, #tpu.memory_space<hbm>>
      %dma_start3A_136 = arith.constant 0 : i32
      %dma_start3A_137 = tpu.memref_slice %arg4[%add3A_128, %dma_start3A_136] : memref<819200x64xf32, #tpu.memory_space<hbm>> -> memref<128x64xf32, #tpu.memory_space<hbm>>
      %dma_start3A_138 = arith.constant 0 : i32
      %dma_start3A_139 = arith.constant 0 : i32
      %dma_start3A_140 = tpu.memref_slice %arg6[%dma_start3A_129, %dma_start3A_138, %dma_start3A_139] : memref<8x128x64xf32, #tpu.memory_space<vmem>> -> memref<1x128x64xf32, #tpu.memory_space<vmem>>
      %dma_start3A_141 = tpu.memref_squeeze %dma_start3A_140 : memref<1x128x64xf32, #tpu.memory_space<vmem>> -> memref<128x64xf32, #tpu.memory_space<vmem>>
      tpu.enqueue_dma source(%dma_start3A_141 : memref<128x64xf32, #tpu.memory_space<vmem>>) target(%dma_start3A_137 : memref<128x64xf32, #tpu.memory_space<hbm>>) target_semaphore(%arg8 : memref<!tpu.dma_semaphore, #tpu.memory_space<semaphore_mem>>)
      %dma_wait3A_142 = arith.constant 1 : i32
      %dma_wait3A_143 = arith.constant 0 : i32
      %dma_wait3A_144 = arith.constant 0 : i32
      %dma_wait3A_145 = tpu.memref_slice %arg6[%dma_wait3A_142, %dma_wait3A_143, %dma_wait3A_144] : memref<8x128x64xf32, #tpu.memory_space<vmem>> -> memref<1x128x64xf32, #tpu.memory_space<vmem>>
      %dma_wait3A_146 = tpu.memref_squeeze %dma_wait3A_145 : memref<1x128x64xf32, #tpu.memory_space<vmem>> -> memref<128x64xf32, #tpu.memory_space<vmem>>
      %dma_wait3A_147 = arith.constant 0 : i32
      %dma_wait3A_148 = tpu.memref_slice %arg5[%add3A_24, %dma_wait3A_147] : memref<200x128xi32, #tpu.memory_space<vmem>> -> memref<1x128xi32, #tpu.memory_space<vmem>>
      %dma_wait3A_149 = tpu.memref_squeeze %dma_wait3A_148 : memref<1x128xi32, #tpu.memory_space<vmem>> -> memref<128xi32, #tpu.memory_space<vmem>>
      %dma_wait3A_150 = arith.constant 0 : i32
      %dma_wait3A_151 = arith.constant 0 : i32
      %dma_wait3A_152 = tpu.memref_slice %arg3[%dma_wait3A_150, %dma_wait3A_151] : memref<1000000x64xf32, #tpu.memory_space<hbm>> -> memref<1000000x64xf32, #tpu.memory_space<hbm>>
      tpu.wait_indirect_dma semaphore(%arg7 : memref<!tpu.dma_semaphore, #tpu.memory_space<semaphore_mem>>) src(%dma_wait3A_152 : memref<1000000x64xf32, #tpu.memory_space<hbm>>) dst(%dma_wait3A_146 : memref<128x64xf32, #tpu.memory_space<vmem>>)
      %add3A_153 = arith.constant 1 : i32
      %add3A_154 = arith.addi %mul3A_10, %add3A_153 : i32
      %mul3A_155 = arith.constant 128 : i32
      %mul3A_156 = arith.muli %add3A_154, %mul3A_155 : i32
      %add3A_157 = arith.addi %mul3A_2, %mul3A_156 : i32
      %dma_start3A_158 = arith.constant 1 : i32
      %dma_start3A_159 = arith.constant 0 : i32
      %dma_start3A_160 = arith.constant 0 : i32
      %dma_start3A_161 = tpu.memref_slice %arg6[%dma_start3A_158, %dma_start3A_159, %dma_start3A_160] : memref<8x128x64xf32, #tpu.memory_space<vmem>> -> memref<1x128x64xf32, #tpu.memory_space<vmem>>
      %dma_start3A_162 = tpu.memref_squeeze %dma_start3A_161 : memref<1x128x64xf32, #tpu.memory_space<vmem>> -> memref<128x64xf32, #tpu.memory_space<vmem>>
      %dma_start3A_163 = arith.constant 0 : i32
      %dma_start3A_164 = tpu.memref_slice %arg4[%add3A_157, %dma_start3A_163] : memref<819200x64xf32, #tpu.memory_space<hbm>> -> memref<128x64xf32, #tpu.memory_space<hbm>>
      %dma_start3A_165 = arith.constant 0 : i32
      %dma_start3A_166 = tpu.memref_slice %arg4[%add3A_157, %dma_start3A_165] : memref<819200x64xf32, #tpu.memory_space<hbm>> -> memref<128x64xf32, #tpu.memory_space<hbm>>
      %dma_start3A_167 = arith.constant 0 : i32
      %dma_start3A_168 = arith.constant 0 : i32
      %dma_start3A_169 = tpu.memref_slice %arg6[%dma_start3A_158, %dma_start3A_167, %dma_start3A_168] : memref<8x128x64xf32, #tpu.memory_space<vmem>> -> memref<1x128x64xf32, #tpu.memory_space<vmem>>
      %dma_start3A_170 = tpu.memref_squeeze %dma_start3A_169 : memref<1x128x64xf32, #tpu.memory_space<vmem>> -> memref<128x64xf32, #tpu.memory_space<vmem>>
      tpu.enqueue_dma source(%dma_start3A_170 : memref<128x64xf32, #tpu.memory_space<vmem>>) target(%dma_start3A_166 : memref<128x64xf32, #tpu.memory_space<hbm>>) target_semaphore(%arg8 : memref<!tpu.dma_semaphore, #tpu.memory_space<semaphore_mem>>)
      %dma_wait3A_171 = arith.constant 2 : i32
      %dma_wait3A_172 = arith.constant 0 : i32
      %dma_wait3A_173 = arith.constant 0 : i32
      %dma_wait3A_174 = tpu.memref_slice %arg6[%dma_wait3A_171, %dma_wait3A_172, %dma_wait3A_173] : memref<8x128x64xf32, #tpu.memory_space<vmem>> -> memref<1x128x64xf32, #tpu.memory_space<vmem>>
      %dma_wait3A_175 = tpu.memref_squeeze %dma_wait3A_174 : memref<1x128x64xf32, #tpu.memory_space<vmem>> -> memref<128x64xf32, #tpu.memory_space<vmem>>
      %dma_wait3A_176 = arith.constant 0 : i32
      %dma_wait3A_177 = tpu.memref_slice %arg5[%add3A_37, %dma_wait3A_176] : memref<200x128xi32, #tpu.memory_space<vmem>> -> memref<1x128xi32, #tpu.memory_space<vmem>>
      %dma_wait3A_178 = tpu.memref_squeeze %dma_wait3A_177 : memref<1x128xi32, #tpu.memory_space<vmem>> -> memref<128xi32, #tpu.memory_space<vmem>>
      %dma_wait3A_179 = arith.constant 0 : i32
      %dma_wait3A_180 = arith.constant 0 : i32
      %dma_wait3A_181 = tpu.memref_slice %arg3[%dma_wait3A_179, %dma_wait3A_180] : memref<1000000x64xf32, #tpu.memory_space<hbm>> -> memref<1000000x64xf32, #tpu.memory_space<hbm>>
      tpu.wait_indirect_dma semaphore(%arg7 : memref<!tpu.dma_semaphore, #tpu.memory_space<semaphore_mem>>) src(%dma_wait3A_181 : memref<1000000x64xf32, #tpu.memory_space<hbm>>) dst(%dma_wait3A_175 : memref<128x64xf32, #tpu.memory_space<vmem>>)
      %add3A_182 = arith.constant 2 : i32
      %add3A_183 = arith.addi %mul3A_10, %add3A_182 : i32
      %mul3A_184 = arith.constant 128 : i32
      %mul3A_185 = arith.muli %add3A_183, %mul3A_184 : i32
      %add3A_186 = arith.addi %mul3A_2, %mul3A_185 : i32
      %dma_start3A_187 = arith.constant 2 : i32
      %dma_start3A_188 = arith.constant 0 : i32
      %dma_start3A_189 = arith.constant 0 : i32
      %dma_start3A_190 = tpu.memref_slice %arg6[%dma_start3A_187, %dma_start3A_188, %dma_start3A_189] : memref<8x128x64xf32, #tpu.memory_space<vmem>> -> memref<1x128x64xf32, #tpu.memory_space<vmem>>
      %dma_start3A_191 = tpu.memref_squeeze %dma_start3A_190 : memref<1x128x64xf32, #tpu.memory_space<vmem>> -> memref<128x64xf32, #tpu.memory_space<vmem>>
      %dma_start3A_192 = arith.constant 0 : i32
      %dma_start3A_193 = tpu.memref_slice %arg4[%add3A_186, %dma_start3A_192] : memref<819200x64xf32, #tpu.memory_space<hbm>> -> memref<128x64xf32, #tpu.memory_space<hbm>>
      %dma_start3A_194 = arith.constant 0 : i32
      %dma_start3A_195 = tpu.memref_slice %arg4[%add3A_186, %dma_start3A_194] : memref<819200x64xf32, #tpu.memory_space<hbm>> -> memref<128x64xf32, #tpu.memory_space<hbm>>
      %dma_start3A_196 = arith.constant 0 : i32
      %dma_start3A_197 = arith.constant 0 : i32
      %dma_start3A_198 = tpu.memref_slice %arg6[%dma_start3A_187, %dma_start3A_196, %dma_start3A_197] : memref<8x128x64xf32, #tpu.memory_space<vmem>> -> memref<1x128x64xf32, #tpu.memory_space<vmem>>
      %dma_start3A_199 = tpu.memref_squeeze %dma_start3A_198 : memref<1x128x64xf32, #tpu.memory_space<vmem>> -> memref<128x64xf32, #tpu.memory_space<vmem>>
      tpu.enqueue_dma source(%dma_start3A_199 : memref<128x64xf32, #tpu.memory_space<vmem>>) target(%dma_start3A_195 : memref<128x64xf32, #tpu.memory_space<hbm>>) target_semaphore(%arg8 : memref<!tpu.dma_semaphore, #tpu.memory_space<semaphore_mem>>)
      %dma_wait3A_200 = arith.constant 3 : i32
      %dma_wait3A_201 = arith.constant 0 : i32
      %dma_wait3A_202 = arith.constant 0 : i32
      %dma_wait3A_203 = tpu.memref_slice %arg6[%dma_wait3A_200, %dma_wait3A_201, %dma_wait3A_202] : memref<8x128x64xf32, #tpu.memory_space<vmem>> -> memref<1x128x64xf32, #tpu.memory_space<vmem>>
      %dma_wait3A_204 = tpu.memref_squeeze %dma_wait3A_203 : memref<1x128x64xf32, #tpu.memory_space<vmem>> -> memref<128x64xf32, #tpu.memory_space<vmem>>
      %dma_wait3A_205 = arith.constant 0 : i32
      %dma_wait3A_206 = tpu.memref_slice %arg5[%add3A_50, %dma_wait3A_205] : memref<200x128xi32, #tpu.memory_space<vmem>> -> memref<1x128xi32, #tpu.memory_space<vmem>>
      %dma_wait3A_207 = tpu.memref_squeeze %dma_wait3A_206 : memref<1x128xi32, #tpu.memory_space<vmem>> -> memref<128xi32, #tpu.memory_space<vmem>>
      %dma_wait3A_208 = arith.constant 0 : i32
      %dma_wait3A_209 = arith.constant 0 : i32
      %dma_wait3A_210 = tpu.memref_slice %arg3[%dma_wait3A_208, %dma_wait3A_209] : memref<1000000x64xf32, #tpu.memory_space<hbm>> -> memref<1000000x64xf32, #tpu.memory_space<hbm>>
      tpu.wait_indirect_dma semaphore(%arg7 : memref<!tpu.dma_semaphore, #tpu.memory_space<semaphore_mem>>) src(%dma_wait3A_210 : memref<1000000x64xf32, #tpu.memory_space<hbm>>) dst(%dma_wait3A_204 : memref<128x64xf32, #tpu.memory_space<vmem>>)
      %add3A_211 = arith.constant 3 : i32
      %add3A_212 = arith.addi %mul3A_10, %add3A_211 : i32
      %mul3A_213 = arith.constant 128 : i32
      %mul3A_214 = arith.muli %add3A_212, %mul3A_213 : i32
      %add3A_215 = arith.addi %mul3A_2, %mul3A_214 : i32
      %dma_start3A_216 = arith.constant 3 : i32
      %dma_start3A_217 = arith.constant 0 : i32
      %dma_start3A_218 = arith.constant 0 : i32
      %dma_start3A_219 = tpu.memref_slice %arg6[%dma_start3A_216, %dma_start3A_217, %dma_start3A_218] : memref<8x128x64xf32, #tpu.memory_space<vmem>> -> memref<1x128x64xf32, #tpu.memory_space<vmem>>
      %dma_start3A_220 = tpu.memref_squeeze %dma_start3A_219 : memref<1x128x64xf32, #tpu.memory_space<vmem>> -> memref<128x64xf32, #tpu.memory_space<vmem>>
      %dma_start3A_221 = arith.constant 0 : i32
      %dma_start3A_222 = tpu.memref_slice %arg4[%add3A_215, %dma_start3A_221] : memref<819200x64xf32, #tpu.memory_space<hbm>> -> memref<128x64xf32, #tpu.memory_space<hbm>>
      %dma_start3A_223 = arith.constant 0 : i32
      %dma_start3A_224 = tpu.memref_slice %arg4[%add3A_215, %dma_start3A_223] : memref<819200x64xf32, #tpu.memory_space<hbm>> -> memref<128x64xf32, #tpu.memory_space<hbm>>
      %dma_start3A_225 = arith.constant 0 : i32
      %dma_start3A_226 = arith.constant 0 : i32
      %dma_start3A_227 = tpu.memref_slice %arg6[%dma_start3A_216, %dma_start3A_225, %dma_start3A_226] : memref<8x128x64xf32, #tpu.memory_space<vmem>> -> memref<1x128x64xf32, #tpu.memory_space<vmem>>
      %dma_start3A_228 = tpu.memref_squeeze %dma_start3A_227 : memref<1x128x64xf32, #tpu.memory_space<vmem>> -> memref<128x64xf32, #tpu.memory_space<vmem>>
      tpu.enqueue_dma source(%dma_start3A_228 : memref<128x64xf32, #tpu.memory_space<vmem>>) target(%dma_start3A_224 : memref<128x64xf32, #tpu.memory_space<hbm>>) target_semaphore(%arg8 : memref<!tpu.dma_semaphore, #tpu.memory_space<semaphore_mem>>)
      %dma_wait3A_229 = arith.constant 4 : i32
      %dma_wait3A_230 = arith.constant 0 : i32
      %dma_wait3A_231 = arith.constant 0 : i32
      %dma_wait3A_232 = tpu.memref_slice %arg6[%dma_wait3A_229, %dma_wait3A_230, %dma_wait3A_231] : memref<8x128x64xf32, #tpu.memory_space<vmem>> -> memref<1x128x64xf32, #tpu.memory_space<vmem>>
      %dma_wait3A_233 = tpu.memref_squeeze %dma_wait3A_232 : memref<1x128x64xf32, #tpu.memory_space<vmem>> -> memref<128x64xf32, #tpu.memory_space<vmem>>
      %dma_wait3A_234 = arith.constant 0 : i32
      %dma_wait3A_235 = tpu.memref_slice %arg5[%add3A_63, %dma_wait3A_234] : memref<200x128xi32, #tpu.memory_space<vmem>> -> memref<1x128xi32, #tpu.memory_space<vmem>>
      %dma_wait3A_236 = tpu.memref_squeeze %dma_wait3A_235 : memref<1x128xi32, #tpu.memory_space<vmem>> -> memref<128xi32, #tpu.memory_space<vmem>>
      %dma_wait3A_237 = arith.constant 0 : i32
      %dma_wait3A_238 = arith.constant 0 : i32
      %dma_wait3A_239 = tpu.memref_slice %arg3[%dma_wait3A_237, %dma_wait3A_238] : memref<1000000x64xf32, #tpu.memory_space<hbm>> -> memref<1000000x64xf32, #tpu.memory_space<hbm>>
      tpu.wait_indirect_dma semaphore(%arg7 : memref<!tpu.dma_semaphore, #tpu.memory_space<semaphore_mem>>) src(%dma_wait3A_239 : memref<1000000x64xf32, #tpu.memory_space<hbm>>) dst(%dma_wait3A_233 : memref<128x64xf32, #tpu.memory_space<vmem>>)
      %add3A_240 = arith.constant 4 : i32
      %add3A_241 = arith.addi %mul3A_10, %add3A_240 : i32
      %mul3A_242 = arith.constant 128 : i32
      %mul3A_243 = arith.muli %add3A_241, %mul3A_242 : i32
      %add3A_244 = arith.addi %mul3A_2, %mul3A_243 : i32
      %dma_start3A_245 = arith.constant 4 : i32
      %dma_start3A_246 = arith.constant 0 : i32
      %dma_start3A_247 = arith.constant 0 : i32
      %dma_start3A_248 = tpu.memref_slice %arg6[%dma_start3A_245, %dma_start3A_246, %dma_start3A_247] : memref<8x128x64xf32, #tpu.memory_space<vmem>> -> memref<1x128x64xf32, #tpu.memory_space<vmem>>
      %dma_start3A_249 = tpu.memref_squeeze %dma_start3A_248 : memref<1x128x64xf32, #tpu.memory_space<vmem>> -> memref<128x64xf32, #tpu.memory_space<vmem>>
      %dma_start3A_250 = arith.constant 0 : i32
      %dma_start3A_251 = tpu.memref_slice %arg4[%add3A_244, %dma_start3A_250] : memref<819200x64xf32, #tpu.memory_space<hbm>> -> memref<128x64xf32, #tpu.memory_space<hbm>>
      %dma_start3A_252 = arith.constant 0 : i32
      %dma_start3A_253 = tpu.memref_slice %arg4[%add3A_244, %dma_start3A_252] : memref<819200x64xf32, #tpu.memory_space<hbm>> -> memref<128x64xf32, #tpu.memory_space<hbm>>
      %dma_start3A_254 = arith.constant 0 : i32
      %dma_start3A_255 = arith.constant 0 : i32
      %dma_start3A_256 = tpu.memref_slice %arg6[%dma_start3A_245, %dma_start3A_254, %dma_start3A_255] : memref<8x128x64xf32, #tpu.memory_space<vmem>> -> memref<1x128x64xf32, #tpu.memory_space<vmem>>
      %dma_start3A_257 = tpu.memref_squeeze %dma_start3A_256 : memref<1x128x64xf32, #tpu.memory_space<vmem>> -> memref<128x64xf32, #tpu.memory_space<vmem>>
      tpu.enqueue_dma source(%dma_start3A_257 : memref<128x64xf32, #tpu.memory_space<vmem>>) target(%dma_start3A_253 : memref<128x64xf32, #tpu.memory_space<hbm>>) target_semaphore(%arg8 : memref<!tpu.dma_semaphore, #tpu.memory_space<semaphore_mem>>)
      %dma_wait3A_258 = arith.constant 5 : i32
      %dma_wait3A_259 = arith.constant 0 : i32
      %dma_wait3A_260 = arith.constant 0 : i32
      %dma_wait3A_261 = tpu.memref_slice %arg6[%dma_wait3A_258, %dma_wait3A_259, %dma_wait3A_260] : memref<8x128x64xf32, #tpu.memory_space<vmem>> -> memref<1x128x64xf32, #tpu.memory_space<vmem>>
      %dma_wait3A_262 = tpu.memref_squeeze %dma_wait3A_261 : memref<1x128x64xf32, #tpu.memory_space<vmem>> -> memref<128x64xf32, #tpu.memory_space<vmem>>
      %dma_wait3A_263 = arith.constant 0 : i32
      %dma_wait3A_264 = tpu.memref_slice %arg5[%add3A_76, %dma_wait3A_263] : memref<200x128xi32, #tpu.memory_space<vmem>> -> memref<1x128xi32, #tpu.memory_space<vmem>>
      %dma_wait3A_265 = tpu.memref_squeeze %dma_wait3A_264 : memref<1x128xi32, #tpu.memory_space<vmem>> -> memref<128xi32, #tpu.memory_space<vmem>>
      %dma_wait3A_266 = arith.constant 0 : i32
      %dma_wait3A_267 = arith.constant 0 : i32
      %dma_wait3A_268 = tpu.memref_slice %arg3[%dma_wait3A_266, %dma_wait3A_267] : memref<1000000x64xf32, #tpu.memory_space<hbm>> -> memref<1000000x64xf32, #tpu.memory_space<hbm>>
      tpu.wait_indirect_dma semaphore(%arg7 : memref<!tpu.dma_semaphore, #tpu.memory_space<semaphore_mem>>) src(%dma_wait3A_268 : memref<1000000x64xf32, #tpu.memory_space<hbm>>) dst(%dma_wait3A_262 : memref<128x64xf32, #tpu.memory_space<vmem>>)
      %add3A_269 = arith.constant 5 : i32
      %add3A_270 = arith.addi %mul3A_10, %add3A_269 : i32
      %mul3A_271 = arith.constant 128 : i32
      %mul3A_272 = arith.muli %add3A_270, %mul3A_271 : i32
      %add3A_273 = arith.addi %mul3A_2, %mul3A_272 : i32
      %dma_start3A_274 = arith.constant 5 : i32
      %dma_start3A_275 = arith.constant 0 : i32
      %dma_start3A_276 = arith.constant 0 : i32
      %dma_start3A_277 = tpu.memref_slice %arg6[%dma_start3A_274, %dma_start3A_275, %dma_start3A_276] : memref<8x128x64xf32, #tpu.memory_space<vmem>> -> memref<1x128x64xf32, #tpu.memory_space<vmem>>
      %dma_start3A_278 = tpu.memref_squeeze %dma_start3A_277 : memref<1x128x64xf32, #tpu.memory_space<vmem>> -> memref<128x64xf32, #tpu.memory_space<vmem>>
      %dma_start3A_279 = arith.constant 0 : i32
      %dma_start3A_280 = tpu.memref_slice %arg4[%add3A_273, %dma_start3A_279] : memref<819200x64xf32, #tpu.memory_space<hbm>> -> memref<128x64xf32, #tpu.memory_space<hbm>>
      %dma_start3A_281 = arith.constant 0 : i32
      %dma_start3A_282 = tpu.memref_slice %arg4[%add3A_273, %dma_start3A_281] : memref<819200x64xf32, #tpu.memory_space<hbm>> -> memref<128x64xf32, #tpu.memory_space<hbm>>
      %dma_start3A_283 = arith.constant 0 : i32
      %dma_start3A_284 = arith.constant 0 : i32
      %dma_start3A_285 = tpu.memref_slice %arg6[%dma_start3A_274, %dma_start3A_283, %dma_start3A_284] : memref<8x128x64xf32, #tpu.memory_space<vmem>> -> memref<1x128x64xf32, #tpu.memory_space<vmem>>
      %dma_start3A_286 = tpu.memref_squeeze %dma_start3A_285 : memref<1x128x64xf32, #tpu.memory_space<vmem>> -> memref<128x64xf32, #tpu.memory_space<vmem>>
      tpu.enqueue_dma source(%dma_start3A_286 : memref<128x64xf32, #tpu.memory_space<vmem>>) target(%dma_start3A_282 : memref<128x64xf32, #tpu.memory_space<hbm>>) target_semaphore(%arg8 : memref<!tpu.dma_semaphore, #tpu.memory_space<semaphore_mem>>)
      %dma_wait3A_287 = arith.constant 6 : i32
      %dma_wait3A_288 = arith.constant 0 : i32
      %dma_wait3A_289 = arith.constant 0 : i32
      %dma_wait3A_290 = tpu.memref_slice %arg6[%dma_wait3A_287, %dma_wait3A_288, %dma_wait3A_289] : memref<8x128x64xf32, #tpu.memory_space<vmem>> -> memref<1x128x64xf32, #tpu.memory_space<vmem>>
      %dma_wait3A_291 = tpu.memref_squeeze %dma_wait3A_290 : memref<1x128x64xf32, #tpu.memory_space<vmem>> -> memref<128x64xf32, #tpu.memory_space<vmem>>
      %dma_wait3A_292 = arith.constant 0 : i32
      %dma_wait3A_293 = tpu.memref_slice %arg5[%add3A_89, %dma_wait3A_292] : memref<200x128xi32, #tpu.memory_space<vmem>> -> memref<1x128xi32, #tpu.memory_space<vmem>>
      %dma_wait3A_294 = tpu.memref_squeeze %dma_wait3A_293 : memref<1x128xi32, #tpu.memory_space<vmem>> -> memref<128xi32, #tpu.memory_space<vmem>>
      %dma_wait3A_295 = arith.constant 0 : i32
      %dma_wait3A_296 = arith.constant 0 : i32
      %dma_wait3A_297 = tpu.memref_slice %arg3[%dma_wait3A_295, %dma_wait3A_296] : memref<1000000x64xf32, #tpu.memory_space<hbm>> -> memref<1000000x64xf32, #tpu.memory_space<hbm>>
      tpu.wait_indirect_dma semaphore(%arg7 : memref<!tpu.dma_semaphore, #tpu.memory_space<semaphore_mem>>) src(%dma_wait3A_297 : memref<1000000x64xf32, #tpu.memory_space<hbm>>) dst(%dma_wait3A_291 : memref<128x64xf32, #tpu.memory_space<vmem>>)
      %add3A_298 = arith.constant 6 : i32
      %add3A_299 = arith.addi %mul3A_10, %add3A_298 : i32
      %mul3A_300 = arith.constant 128 : i32
      %mul3A_301 = arith.muli %add3A_299, %mul3A_300 : i32
      %add3A_302 = arith.addi %mul3A_2, %mul3A_301 : i32
      %dma_start3A_303 = arith.constant 6 : i32
      %dma_start3A_304 = arith.constant 0 : i32
      %dma_start3A_305 = arith.constant 0 : i32
      %dma_start3A_306 = tpu.memref_slice %arg6[%dma_start3A_303, %dma_start3A_304, %dma_start3A_305] : memref<8x128x64xf32, #tpu.memory_space<vmem>> -> memref<1x128x64xf32, #tpu.memory_space<vmem>>
      %dma_start3A_307 = tpu.memref_squeeze %dma_start3A_306 : memref<1x128x64xf32, #tpu.memory_space<vmem>> -> memref<128x64xf32, #tpu.memory_space<vmem>>
      %dma_start3A_308 = arith.constant 0 : i32
      %dma_start3A_309 = tpu.memref_slice %arg4[%add3A_302, %dma_start3A_308] : memref<819200x64xf32, #tpu.memory_space<hbm>> -> memref<128x64xf32, #tpu.memory_space<hbm>>
      %dma_start3A_310 = arith.constant 0 : i32
      %dma_start3A_311 = tpu.memref_slice %arg4[%add3A_302, %dma_start3A_310] : memref<819200x64xf32, #tpu.memory_space<hbm>> -> memref<128x64xf32, #tpu.memory_space<hbm>>
      %dma_start3A_312 = arith.constant 0 : i32
      %dma_start3A_313 = arith.constant 0 : i32
      %dma_start3A_314 = tpu.memref_slice %arg6[%dma_start3A_303, %dma_start3A_312, %dma_start3A_313] : memref<8x128x64xf32, #tpu.memory_space<vmem>> -> memref<1x128x64xf32, #tpu.memory_space<vmem>>
      %dma_start3A_315 = tpu.memref_squeeze %dma_start3A_314 : memref<1x128x64xf32, #tpu.memory_space<vmem>> -> memref<128x64xf32, #tpu.memory_space<vmem>>
      tpu.enqueue_dma source(%dma_start3A_315 : memref<128x64xf32, #tpu.memory_space<vmem>>) target(%dma_start3A_311 : memref<128x64xf32, #tpu.memory_space<hbm>>) target_semaphore(%arg8 : memref<!tpu.dma_semaphore, #tpu.memory_space<semaphore_mem>>)
      %dma_wait3A_316 = arith.constant 7 : i32
      %dma_wait3A_317 = arith.constant 0 : i32
      %dma_wait3A_318 = arith.constant 0 : i32
      %dma_wait3A_319 = tpu.memref_slice %arg6[%dma_wait3A_316, %dma_wait3A_317, %dma_wait3A_318] : memref<8x128x64xf32, #tpu.memory_space<vmem>> -> memref<1x128x64xf32, #tpu.memory_space<vmem>>
      %dma_wait3A_320 = tpu.memref_squeeze %dma_wait3A_319 : memref<1x128x64xf32, #tpu.memory_space<vmem>> -> memref<128x64xf32, #tpu.memory_space<vmem>>
      %dma_wait3A_321 = arith.constant 0 : i32
      %dma_wait3A_322 = tpu.memref_slice %arg5[%add3A_102, %dma_wait3A_321] : memref<200x128xi32, #tpu.memory_space<vmem>> -> memref<1x128xi32, #tpu.memory_space<vmem>>
      %dma_wait3A_323 = tpu.memref_squeeze %dma_wait3A_322 : memref<1x128xi32, #tpu.memory_space<vmem>> -> memref<128xi32, #tpu.memory_space<vmem>>
      %dma_wait3A_324 = arith.constant 0 : i32
      %dma_wait3A_325 = arith.constant 0 : i32
      %dma_wait3A_326 = tpu.memref_slice %arg3[%dma_wait3A_324, %dma_wait3A_325] : memref<1000000x64xf32, #tpu.memory_space<hbm>> -> memref<1000000x64xf32, #tpu.memory_space<hbm>>
      tpu.wait_indirect_dma semaphore(%arg7 : memref<!tpu.dma_semaphore, #tpu.memory_space<semaphore_mem>>) src(%dma_wait3A_326 : memref<1000000x64xf32, #tpu.memory_space<hbm>>) dst(%dma_wait3A_320 : memref<128x64xf32, #tpu.memory_space<vmem>>)
      %add3A_327 = arith.constant 7 : i32
      %add3A_328 = arith.addi %mul3A_10, %add3A_327 : i32
      %mul3A_329 = arith.constant 128 : i32
      %mul3A_330 = arith.muli %add3A_328, %mul3A_329 : i32
      %add3A_331 = arith.addi %mul3A_2, %mul3A_330 : i32
      %dma_start3A_332 = arith.constant 7 : i32
      %dma_start3A_333 = arith.constant 0 : i32
      %dma_start3A_334 = arith.constant 0 : i32
      %dma_start3A_335 = tpu.memref_slice %arg6[%dma_start3A_332, %dma_start3A_333, %dma_start3A_334] : memref<8x128x64xf32, #tpu.memory_space<vmem>> -> memref<1x128x64xf32, #tpu.memory_space<vmem>>
      %dma_start3A_336 = tpu.memref_squeeze %dma_start3A_335 : memref<1x128x64xf32, #tpu.memory_space<vmem>> -> memref<128x64xf32, #tpu.memory_space<vmem>>
      %dma_start3A_337 = arith.constant 0 : i32
      %dma_start3A_338 = tpu.memref_slice %arg4[%add3A_331, %dma_start3A_337] : memref<819200x64xf32, #tpu.memory_space<hbm>> -> memref<128x64xf32, #tpu.memory_space<hbm>>
      %dma_start3A_339 = arith.constant 0 : i32
      %dma_start3A_340 = tpu.memref_slice %arg4[%add3A_331, %dma_start3A_339] : memref<819200x64xf32, #tpu.memory_space<hbm>> -> memref<128x64xf32, #tpu.memory_space<hbm>>
      %dma_start3A_341 = arith.constant 0 : i32
      %dma_start3A_342 = arith.constant 0 : i32
      %dma_start3A_343 = tpu.memref_slice %arg6[%dma_start3A_332, %dma_start3A_341, %dma_start3A_342] : memref<8x128x64xf32, #tpu.memory_space<vmem>> -> memref<1x128x64xf32, #tpu.memory_space<vmem>>
      %dma_start3A_344 = tpu.memref_squeeze %dma_start3A_343 : memref<1x128x64xf32, #tpu.memory_space<vmem>> -> memref<128x64xf32, #tpu.memory_space<vmem>>
      tpu.enqueue_dma source(%dma_start3A_344 : memref<128x64xf32, #tpu.memory_space<vmem>>) target(%dma_start3A_340 : memref<128x64xf32, #tpu.memory_space<hbm>>) target_semaphore(%arg8 : memref<!tpu.dma_semaphore, #tpu.memory_space<semaphore_mem>>)
      %dma_wait3A_345 = arith.constant 0 : i32
      %dma_wait3A_346 = arith.constant 0 : i32
      %dma_wait3A_347 = arith.constant 0 : i32
      %dma_wait3A_348 = tpu.memref_slice %arg6[%dma_wait3A_345, %dma_wait3A_346, %dma_wait3A_347] : memref<8x128x64xf32, #tpu.memory_space<vmem>> -> memref<1x128x64xf32, #tpu.memory_space<vmem>>
      %dma_wait3A_349 = tpu.memref_squeeze %dma_wait3A_348 : memref<1x128x64xf32, #tpu.memory_space<vmem>> -> memref<128x64xf32, #tpu.memory_space<vmem>>
      %dma_wait3A_350 = arith.constant 0 : i32
      %dma_wait3A_351 = tpu.memref_slice %arg4[%add3A_128, %dma_wait3A_350] : memref<819200x64xf32, #tpu.memory_space<hbm>> -> memref<128x64xf32, #tpu.memory_space<hbm>>
      %dma_wait3A_352 = arith.constant 0 : i32
      %dma_wait3A_353 = tpu.memref_slice %arg4[%add3A_128, %dma_wait3A_352] : memref<819200x64xf32, #tpu.memory_space<hbm>> -> memref<128x64xf32, #tpu.memory_space<hbm>>
      %dma_wait3A_354 = arith.constant 0 : i32
      %dma_wait3A_355 = arith.constant 0 : i32
      %dma_wait3A_356 = tpu.memref_slice %arg6[%dma_wait3A_345, %dma_wait3A_354, %dma_wait3A_355] : memref<8x128x64xf32, #tpu.memory_space<vmem>> -> memref<1x128x64xf32, #tpu.memory_space<vmem>>
      %dma_wait3A_357 = tpu.memref_squeeze %dma_wait3A_356 : memref<1x128x64xf32, #tpu.memory_space<vmem>> -> memref<128x64xf32, #tpu.memory_space<vmem>>
      tpu.wait_dma2 semaphore(%arg8 : memref<!tpu.dma_semaphore, #tpu.memory_space<semaphore_mem>>) src(%dma_wait3A_357 : memref<128x64xf32, #tpu.memory_space<vmem>>) dst(%dma_wait3A_353 : memref<128x64xf32, #tpu.memory_space<hbm>>)
      %dma_wait3A_358 = arith.constant 1 : i32
      %dma_wait3A_359 = arith.constant 0 : i32
      %dma_wait3A_360 = arith.constant 0 : i32
      %dma_wait3A_361 = tpu.memref_slice %arg6[%dma_wait3A_358, %dma_wait3A_359, %dma_wait3A_360] : memref<8x128x64xf32, #tpu.memory_space<vmem>> -> memref<1x128x64xf32, #tpu.memory_space<vmem>>
      %dma_wait3A_362 = tpu.memref_squeeze %dma_wait3A_361 : memref<1x128x64xf32, #tpu.memory_space<vmem>> -> memref<128x64xf32, #tpu.memory_space<vmem>>
      %dma_wait3A_363 = arith.constant 0 : i32
      %dma_wait3A_364 = tpu.memref_slice %arg4[%add3A_157, %dma_wait3A_363] : memref<819200x64xf32, #tpu.memory_space<hbm>> -> memref<128x64xf32, #tpu.memory_space<hbm>>
      %dma_wait3A_365 = arith.constant 0 : i32
      %dma_wait3A_366 = tpu.memref_slice %arg4[%add3A_157, %dma_wait3A_365] : memref<819200x64xf32, #tpu.memory_space<hbm>> -> memref<128x64xf32, #tpu.memory_space<hbm>>
      %dma_wait3A_367 = arith.constant 0 : i32
      %dma_wait3A_368 = arith.constant 0 : i32
      %dma_wait3A_369 = tpu.memref_slice %arg6[%dma_wait3A_358, %dma_wait3A_367, %dma_wait3A_368] : memref<8x128x64xf32, #tpu.memory_space<vmem>> -> memref<1x128x64xf32, #tpu.memory_space<vmem>>
      %dma_wait3A_370 = tpu.memref_squeeze %dma_wait3A_369 : memref<1x128x64xf32, #tpu.memory_space<vmem>> -> memref<128x64xf32, #tpu.memory_space<vmem>>
      tpu.wait_dma2 semaphore(%arg8 : memref<!tpu.dma_semaphore, #tpu.memory_space<semaphore_mem>>) src(%dma_wait3A_370 : memref<128x64xf32, #tpu.memory_space<vmem>>) dst(%dma_wait3A_366 : memref<128x64xf32, #tpu.memory_space<hbm>>)
      %dma_wait3A_371 = arith.constant 2 : i32
      %dma_wait3A_372 = arith.constant 0 : i32
      %dma_wait3A_373 = arith.constant 0 : i32
      %dma_wait3A_374 = tpu.memref_slice %arg6[%dma_wait3A_371, %dma_wait3A_372, %dma_wait3A_373] : memref<8x128x64xf32, #tpu.memory_space<vmem>> -> memref<1x128x64xf32, #tpu.memory_space<vmem>>
      %dma_wait3A_375 = tpu.memref_squeeze %dma_wait3A_374 : memref<1x128x64xf32, #tpu.memory_space<vmem>> -> memref<128x64xf32, #tpu.memory_space<vmem>>
      %dma_wait3A_376 = arith.constant 0 : i32
      %dma_wait3A_377 = tpu.memref_slice %arg4[%add3A_186, %dma_wait3A_376] : memref<819200x64xf32, #tpu.memory_space<hbm>> -> memref<128x64xf32, #tpu.memory_space<hbm>>
      %dma_wait3A_378 = arith.constant 0 : i32
      %dma_wait3A_379 = tpu.memref_slice %arg4[%add3A_186, %dma_wait3A_378] : memref<819200x64xf32, #tpu.memory_space<hbm>> -> memref<128x64xf32, #tpu.memory_space<hbm>>
      %dma_wait3A_380 = arith.constant 0 : i32
      %dma_wait3A_381 = arith.constant 0 : i32
      %dma_wait3A_382 = tpu.memref_slice %arg6[%dma_wait3A_371, %dma_wait3A_380, %dma_wait3A_381] : memref<8x128x64xf32, #tpu.memory_space<vmem>> -> memref<1x128x64xf32, #tpu.memory_space<vmem>>
      %dma_wait3A_383 = tpu.memref_squeeze %dma_wait3A_382 : memref<1x128x64xf32, #tpu.memory_space<vmem>> -> memref<128x64xf32, #tpu.memory_space<vmem>>
      tpu.wait_dma2 semaphore(%arg8 : memref<!tpu.dma_semaphore, #tpu.memory_space<semaphore_mem>>) src(%dma_wait3A_383 : memref<128x64xf32, #tpu.memory_space<vmem>>) dst(%dma_wait3A_379 : memref<128x64xf32, #tpu.memory_space<hbm>>)
      %dma_wait3A_384 = arith.constant 3 : i32
      %dma_wait3A_385 = arith.constant 0 : i32
      %dma_wait3A_386 = arith.constant 0 : i32
      %dma_wait3A_387 = tpu.memref_slice %arg6[%dma_wait3A_384, %dma_wait3A_385, %dma_wait3A_386] : memref<8x128x64xf32, #tpu.memory_space<vmem>> -> memref<1x128x64xf32, #tpu.memory_space<vmem>>
      %dma_wait3A_388 = tpu.memref_squeeze %dma_wait3A_387 : memref<1x128x64xf32, #tpu.memory_space<vmem>> -> memref<128x64xf32, #tpu.memory_space<vmem>>
      %dma_wait3A_389 = arith.constant 0 : i32
      %dma_wait3A_390 = tpu.memref_slice %arg4[%add3A_215, %dma_wait3A_389] : memref<819200x64xf32, #tpu.memory_space<hbm>> -> memref<128x64xf32, #tpu.memory_space<hbm>>
      %dma_wait3A_391 = arith.constant 0 : i32
      %dma_wait3A_392 = tpu.memref_slice %arg4[%add3A_215, %dma_wait3A_391] : memref<819200x64xf32, #tpu.memory_space<hbm>> -> memref<128x64xf32, #tpu.memory_space<hbm>>
      %dma_wait3A_393 = arith.constant 0 : i32
      %dma_wait3A_394 = arith.constant 0 : i32
      %dma_wait3A_395 = tpu.memref_slice %arg6[%dma_wait3A_384, %dma_wait3A_393, %dma_wait3A_394] : memref<8x128x64xf32, #tpu.memory_space<vmem>> -> memref<1x128x64xf32, #tpu.memory_space<vmem>>
      %dma_wait3A_396 = tpu.memref_squeeze %dma_wait3A_395 : memref<1x128x64xf32, #tpu.memory_space<vmem>> -> memref<128x64xf32, #tpu.memory_space<vmem>>
      tpu.wait_dma2 semaphore(%arg8 : memref<!tpu.dma_semaphore, #tpu.memory_space<semaphore_mem>>) src(%dma_wait3A_396 : memref<128x64xf32, #tpu.memory_space<vmem>>) dst(%dma_wait3A_392 : memref<128x64xf32, #tpu.memory_space<hbm>>)
      %dma_wait3A_397 = arith.constant 4 : i32
      %dma_wait3A_398 = arith.constant 0 : i32
      %dma_wait3A_399 = arith.constant 0 : i32
      %dma_wait3A_400 = tpu.memref_slice %arg6[%dma_wait3A_397, %dma_wait3A_398, %dma_wait3A_399] : memref<8x128x64xf32, #tpu.memory_space<vmem>> -> memref<1x128x64xf32, #tpu.memory_space<vmem>>
      %dma_wait3A_401 = tpu.memref_squeeze %dma_wait3A_400 : memref<1x128x64xf32, #tpu.memory_space<vmem>> -> memref<128x64xf32, #tpu.memory_space<vmem>>
      %dma_wait3A_402 = arith.constant 0 : i32
      %dma_wait3A_403 = tpu.memref_slice %arg4[%add3A_244, %dma_wait3A_402] : memref<819200x64xf32, #tpu.memory_space<hbm>> -> memref<128x64xf32, #tpu.memory_space<hbm>>
      %dma_wait3A_404 = arith.constant 0 : i32
      %dma_wait3A_405 = tpu.memref_slice %arg4[%add3A_244, %dma_wait3A_404] : memref<819200x64xf32, #tpu.memory_space<hbm>> -> memref<128x64xf32, #tpu.memory_space<hbm>>
      %dma_wait3A_406 = arith.constant 0 : i32
      %dma_wait3A_407 = arith.constant 0 : i32
      %dma_wait3A_408 = tpu.memref_slice %arg6[%dma_wait3A_397, %dma_wait3A_406, %dma_wait3A_407] : memref<8x128x64xf32, #tpu.memory_space<vmem>> -> memref<1x128x64xf32, #tpu.memory_space<vmem>>
      %dma_wait3A_409 = tpu.memref_squeeze %dma_wait3A_408 : memref<1x128x64xf32, #tpu.memory_space<vmem>> -> memref<128x64xf32, #tpu.memory_space<vmem>>
      tpu.wait_dma2 semaphore(%arg8 : memref<!tpu.dma_semaphore, #tpu.memory_space<semaphore_mem>>) src(%dma_wait3A_409 : memref<128x64xf32, #tpu.memory_space<vmem>>) dst(%dma_wait3A_405 : memref<128x64xf32, #tpu.memory_space<hbm>>)
      %dma_wait3A_410 = arith.constant 5 : i32
      %dma_wait3A_411 = arith.constant 0 : i32
      %dma_wait3A_412 = arith.constant 0 : i32
      %dma_wait3A_413 = tpu.memref_slice %arg6[%dma_wait3A_410, %dma_wait3A_411, %dma_wait3A_412] : memref<8x128x64xf32, #tpu.memory_space<vmem>> -> memref<1x128x64xf32, #tpu.memory_space<vmem>>
      %dma_wait3A_414 = tpu.memref_squeeze %dma_wait3A_413 : memref<1x128x64xf32, #tpu.memory_space<vmem>> -> memref<128x64xf32, #tpu.memory_space<vmem>>
      %dma_wait3A_415 = arith.constant 0 : i32
      %dma_wait3A_416 = tpu.memref_slice %arg4[%add3A_273, %dma_wait3A_415] : memref<819200x64xf32, #tpu.memory_space<hbm>> -> memref<128x64xf32, #tpu.memory_space<hbm>>
      %dma_wait3A_417 = arith.constant 0 : i32
      %dma_wait3A_418 = tpu.memref_slice %arg4[%add3A_273, %dma_wait3A_417] : memref<819200x64xf32, #tpu.memory_space<hbm>> -> memref<128x64xf32, #tpu.memory_space<hbm>>
      %dma_wait3A_419 = arith.constant 0 : i32
      %dma_wait3A_420 = arith.constant 0 : i32
      %dma_wait3A_421 = tpu.memref_slice %arg6[%dma_wait3A_410, %dma_wait3A_419, %dma_wait3A_420] : memref<8x128x64xf32, #tpu.memory_space<vmem>> -> memref<1x128x64xf32, #tpu.memory_space<vmem>>
      %dma_wait3A_422 = tpu.memref_squeeze %dma_wait3A_421 : memref<1x128x64xf32, #tpu.memory_space<vmem>> -> memref<128x64xf32, #tpu.memory_space<vmem>>
      tpu.wait_dma2 semaphore(%arg8 : memref<!tpu.dma_semaphore, #tpu.memory_space<semaphore_mem>>) src(%dma_wait3A_422 : memref<128x64xf32, #tpu.memory_space<vmem>>) dst(%dma_wait3A_418 : memref<128x64xf32, #tpu.memory_space<hbm>>)
      %dma_wait3A_423 = arith.constant 6 : i32
      %dma_wait3A_424 = arith.constant 0 : i32
      %dma_wait3A_425 = arith.constant 0 : i32
      %dma_wait3A_426 = tpu.memref_slice %arg6[%dma_wait3A_423, %dma_wait3A_424, %dma_wait3A_425] : memref<8x128x64xf32, #tpu.memory_space<vmem>> -> memref<1x128x64xf32, #tpu.memory_space<vmem>>
      %dma_wait3A_427 = tpu.memref_squeeze %dma_wait3A_426 : memref<1x128x64xf32, #tpu.memory_space<vmem>> -> memref<128x64xf32, #tpu.memory_space<vmem>>
      %dma_wait3A_428 = arith.constant 0 : i32
      %dma_wait3A_429 = tpu.memref_slice %arg4[%add3A_302, %dma_wait3A_428] : memref<819200x64xf32, #tpu.memory_space<hbm>> -> memref<128x64xf32, #tpu.memory_space<hbm>>
      %dma_wait3A_430 = arith.constant 0 : i32
      %dma_wait3A_431 = tpu.memref_slice %arg4[%add3A_302, %dma_wait3A_430] : memref<819200x64xf32, #tpu.memory_space<hbm>> -> memref<128x64xf32, #tpu.memory_space<hbm>>
      %dma_wait3A_432 = arith.constant 0 : i32
      %dma_wait3A_433 = arith.constant 0 : i32
      %dma_wait3A_434 = tpu.memref_slice %arg6[%dma_wait3A_423, %dma_wait3A_432, %dma_wait3A_433] : memref<8x128x64xf32, #tpu.memory_space<vmem>> -> memref<1x128x64xf32, #tpu.memory_space<vmem>>
      %dma_wait3A_435 = tpu.memref_squeeze %dma_wait3A_434 : memref<1x128x64xf32, #tpu.memory_space<vmem>> -> memref<128x64xf32, #tpu.memory_space<vmem>>
      tpu.wait_dma2 semaphore(%arg8 : memref<!tpu.dma_semaphore, #tpu.memory_space<semaphore_mem>>) src(%dma_wait3A_435 : memref<128x64xf32, #tpu.memory_space<vmem>>) dst(%dma_wait3A_431 : memref<128x64xf32, #tpu.memory_space<hbm>>)
      %dma_wait3A_436 = arith.constant 7 : i32
      %dma_wait3A_437 = arith.constant 0 : i32
      %dma_wait3A_438 = arith.constant 0 : i32
      %dma_wait3A_439 = tpu.memref_slice %arg6[%dma_wait3A_436, %dma_wait3A_437, %dma_wait3A_438] : memref<8x128x64xf32, #tpu.memory_space<vmem>> -> memref<1x128x64xf32, #tpu.memory_space<vmem>>
      %dma_wait3A_440 = tpu.memref_squeeze %dma_wait3A_439 : memref<1x128x64xf32, #tpu.memory_space<vmem>> -> memref<128x64xf32, #tpu.memory_space<vmem>>
      %dma_wait3A_441 = arith.constant 0 : i32
      %dma_wait3A_442 = tpu.memref_slice %arg4[%add3A_331, %dma_wait3A_441] : memref<819200x64xf32, #tpu.memory_space<hbm>> -> memref<128x64xf32, #tpu.memory_space<hbm>>
      %dma_wait3A_443 = arith.constant 0 : i32
      %dma_wait3A_444 = tpu.memref_slice %arg4[%add3A_331, %dma_wait3A_443] : memref<819200x64xf32, #tpu.memory_space<hbm>> -> memref<128x64xf32, #tpu.memory_space<hbm>>
      %dma_wait3A_445 = arith.constant 0 : i32
      %dma_wait3A_446 = arith.constant 0 : i32
      %dma_wait3A_447 = tpu.memref_slice %arg6[%dma_wait3A_436, %dma_wait3A_445, %dma_wait3A_446] : memref<8x128x64xf32, #tpu.memory_space<vmem>> -> memref<1x128x64xf32, #tpu.memory_space<vmem>>
      %dma_wait3A_448 = tpu.memref_squeeze %dma_wait3A_447 : memref<1x128x64xf32, #tpu.memory_space<vmem>> -> memref<128x64xf32, #tpu.memory_space<vmem>>
      tpu.wait_dma2 semaphore(%arg8 : memref<!tpu.dma_semaphore, #tpu.memory_space<semaphore_mem>>) src(%dma_wait3A_448 : memref<128x64xf32, #tpu.memory_space<vmem>>) dst(%dma_wait3A_444 : memref<128x64xf32, #tpu.memory_space<hbm>>)
    }
    %scan3A_7 = arith.constant 25 : i32
    return
  }
}

</mosaic_0001>

<sc_bundles>
// kernel: kernel.3.cloned.1.call-start
scs
__scs_entry_jumppad:
0x0: {  	(pc) =	sbr.rel $0x88, $3  }
0x1: {  	(tag) =	ssettag $0x0;
	lr =	simm.s32 $0x1  }
0x2: {  	[smem:$0x3F9F] =	sst lr;
	_ =	strace $0xD0000000  }
0x3: {  	_ = 	snop  }
0x4: {  	_ = 	snop  }
0x5: {  	_ = 	snop  }
0x6: {  	_ = 	snop  }
0x7: {  	_ = 	snop  }
__scs_overlays_trampoline_lowered:
0x8: {  	[smem:$0x3FAE] =	sst s0  }
0x9: {  	[smem:$0x3FAF] =	sst s1  }
0xa: {  	[smem:$0x3FB0] =	sst s2  }
0xb: {  	[smem:$0x3FB1] =	sst s3  }
0xc: {  	[smem:$0x3FB2] =	sst s4  }
0xd: {  	[smem:$0x3FB3] =	sst s5  }
0xe: {  	[smem:$0x3FB4] =	sst s6  }
0xf: {  	[smem:$0x3FB5] =	sst s7  }
0x10: {  	[smem:$0x3FB6] =	sst s8  }
0x11: {  	[smem:$0x3FB7] =	sst s9;
	s0 =	simm.s32 @!p0 $0x0  }
0x12: {  	s1 =	sld [smem:$0x3F9D];
	s0 =	simm.s32 @p0 $0x1  }
0x13: {  	[smem:$0x3FB8] =	sst s0;
	s0 =	simm.s32 @!p1 $0x0  }
0x14: {  	s2 =	sld [smem:$0x3F9C];
	s0 =	simm.s32 @p1 $0x1  }
0x15: {  	[smem:$0x3FB9] =	sst s0;
	s0 =	simm.s32 @!p2 $0x0  }
0x16: {  	s3 =	sld [smem:$0x3FDB];
	s0 =	simm.s32 @p2 $0x1  }
0x17: {  	s4 =	simm.s32 $0x1BF5;
	[smem:$0x3FBB] =	sst s0  }
0x18: {  	s0 =	sld [smem:$0x3F9E];
	_ =	swait.ge [sflag:s4], $0x0  }
0x19: {  	s7 =	sld [smem:$0x3F9F]  }
0x1a: {  	s8 =	sadd.s32 $0xFFFFE003, lr  }
0x1b: {  	s9 =	sadd.s32 $0xFFFFFEF7, lr;
	s5 =	simm.s32 $0xFFFFFFFF;
	p2 =	slt.u32 s8, $0xFFFFF086  }
0x1c: {  	p1 =	slt.u32 s9, $0xF7A;
	s5 =	simm.s32 @!p2 $0x0  }
0x1d: {  	s5 =	simm.s32 @p1 $0x1;
	p0 =	seq.s32 s7, s2  }
0x1e: {  	s7 =	smul.u32 @!p0 $0xF7A, s2;
	p2 =	seq.s32 @!p0 s5, $0x0  }
0x1f: {  	s9 =	smul.u32 $0xF7A, s1;
	s8 =	simm.s32 @!p0 $0x1BF5;
	p2 =	por !p2, p0  }
0x20: {  	[sflag:s8] =	ssyncset.s32 @!p0 $0xFFFFF086;
	s6 =	sadd.s32 @!p0 s3, s7;
	s7 =	simm.s32 @!p0 $0x108  }
0x21: {  	s3 =	sadd.s32 s3, s9;
	s6 =	sadd.s32 @!p0 $0x88, s6;
	s7 =	simm.s32 @p2 $0x1082  }
0x22: {  	[simem:s7], [sflag:s8] =	dma.local @!p0 [hbm:s6], $0xF7A  }
0x23: {  	s9 =	sor.u32 $0xD0000000, s2;
	s6 =	simm.s32 $0x108;
	_ =	swait.ge @!p0 [sflag:s8], $0x0  }
0x24: {  	s3 =	sadd.s32 $0x88, s3;
	s6 =	simm.s32 @!p1 $0x1082;
	[sflag:s4] =	ssyncset.s32 $0xFFFFF086  }
0x25: {  	[simem:s6], [sflag:s4] =	dma.local [hbm:s3], $0xF7A  }
0x26: {  	[smem:$0x3F9F] =	sst s1;
	(tag) =	ssettag s2;
	_ =	strace s9  }
0x27: {  	s1 =	sld [smem:$0x3FAF]  }
0x28: {  	s2 =	sld [smem:$0x3FB0]  }
0x29: {  	s4 =	sld [smem:$0x3FB2]  }
0x2a: {  	p0 =	seq.s32 s5, $0x0;
	s5 =	sld [smem:$0x3FB3]  }
0x2b: {  	s6 =	sld [smem:$0x3FB4]  }
0x2c: {  	s7 =	sld [smem:$0x3FB5]  }
0x2d: {  	s3 =	simm.s32 $0x108;
	s8 =	sld [smem:$0x3FB6]  }
0x2e: {  	s3 =	simm.s32 @!p0 $0x1082;
	s9 =	sld [smem:$0x3FB7]  }
0x2f: {  	lr =	sadd.s32 s0, s3;
	s0 =	sld [smem:$0x3FAE]  }
0x30: {  	s3 =	sld [smem:$0x3FB1]  }
0x31: {  	[smem:$0x3FBA] =	sst s10  }
0x32: {  	s10 =	sld [smem:$0x3FB8];
	_ =	sdelay $0x3  }
0x33: {  	p0 =	seq.s32 s10, $0x1;
	s10 =	sld [smem:$0x3FBA];
	_ =	sdelay $0x3  }
0x34: {  	[smem:$0x3FBA] =	sst s10  }
0x35: {  	s10 =	sld [smem:$0x3FB9];
	_ =	sdelay $0x3  }
0x36: {  	p1 =	seq.s32 s10, $0x1;
	s10 =	sld [smem:$0x3FBA];
	_ =	sdelay $0x3  }
0x37: {  	[smem:$0x3FBA] =	sst s10  }
0x38: {  	s10 =	sld [smem:$0x3FBB]  }
0x39: {  	_ = 	snop;
	(pc) =	sbr.ind lr, $3  }
0x3a: {  	_ = 	snop  }
0x3b: {  	_ = 	snop  }
0x3c: {  	p2 =	seq.s32 s10, $0x1;
	s10 =	sld [smem:$0x3FBA]  }
0x3d: {  	_ =	shalt  }
0x3e: {  	_ =	shalt  }
0x3f: {  	_ =	shalt  }
0x40: {  	_ =	shalt  }
0x41: {  	_ =	shalt  }
0x42: {  	_ =	shalt  }
0x43: {  	_ =	shalt  }
0x44: {  	_ =	shalt  }
0x45: {  	_ =	shalt  }
0x46: {  	_ =	shalt  }
0x47: {  	_ =	shalt  }
0x48: {  	_ =	shalt  }
0x49: {  	_ =	shalt  }
0x4a: {  	_ =	shalt  }
0x4b: {  	_ =	shalt  }
0x4c: {  	_ =	shalt  }
0x4d: {  	_ =	shalt  }
0x4e: {  	_ =	shalt  }
0x4f: {  	_ =	shalt  }
0x50: {  	_ =	shalt  }
0x51: {  	_ =	shalt  }
0x52: {  	_ =	shalt  }
0x53: {  	_ =	shalt  }
0x54: {  	_ =	shalt  }
0x55: {  	_ =	shalt  }
0x56: {  	_ =	shalt  }
0x57: {  	_ =	shalt  }
0x58: {  	_ =	shalt  }
0x59: {  	_ =	shalt  }
0x5a: {  	_ =	shalt  }
0x5b: {  	_ =	shalt  }
0x5c: {  	_ =	shalt  }
0x5d: {  	_ =	shalt  }
0x5e: {  	_ =	shalt  }
0x5f: {  	_ =	shalt  }
0x60: {  	_ =	shalt  }
0x61: {  	_ =	shalt  }
0x62: {  	_ =	shalt  }
0x63: {  	_ =	shalt  }
0x64: {  	_ =	shalt  }
0x65: {  	_ =	shalt  }
0x66: {  	_ =	shalt  }
0x67: {  	_ =	shalt  }
0x68: {  	_ =	shalt  }
0x69: {  	_ =	shalt  }
0x6a: {  	_ =	shalt  }
0x6b: {  	_ =	shalt  }
0x6c: {  	_ =	shalt  }
0x6d: {  	_ =	shalt  }
0x6e: {  	_ =	shalt  }
0x6f: {  	_ =	shalt  }
0x70: {  	_ =	shalt  }
0x71: {  	_ =	shalt  }
0x72: {  	_ =	shalt  }
0x73: {  	_ =	shalt  }
0x74: {  	_ =	shalt  }
0x75: {  	_ =	shalt  }
0x76: {  	_ =	shalt  }
0x77: {  	_ =	shalt  }
0x78: {  	_ =	shalt  }
0x79: {  	_ =	shalt  }
0x7a: {  	_ =	shalt  }
0x7b: {  	_ =	shalt  }
0x7c: {  	_ =	shalt  }
0x7d: {  	_ =	shalt  }
0x7e: {  	_ =	shalt  }
0x7f: {  	_ =	shalt  }
0x80: {  	_ =	shalt  }
0x81: {  	_ =	shalt  }
0x82: {  	_ =	shalt  }
0x83: {  	_ =	shalt  }
0x84: {  	_ =	shalt  }
0x85: {  	_ =	shalt  }
0x86: {  	_ =	shalt  }
0x87: {  	_ =	shalt  }
.Lfunc_end0:
.L_simem_size_0:
called_computation.1_lowered:
.L_overlay_start_0:
0x88: {  	s2 =	sld [smem:$0x3FD9]  }
0x89: {  	s3 =	sld [smem:$0x3FFE];
	_ =	sdelay $0x1  }
0x8a: {  	s1 =	srdreg.scid  }
0x8b: {  	s0 =	sand.u32 $0x1, s1  }
0x8c: {  	s17 =	sshll.u32 s0, $0xA;
	s2 =	sadd.s32 s3, s2  }
0x8d: {  	s2 =	sadd.s32 s2, s17  }
0x8e: {  	[smem:$0x3FC6] =	sst s2  }
0x8f: {  	_ = 	snop  }
0x90: {  	s2 =	sld [smem:$0x3FD0];
	(tm) =	ssettm $0x1  }
0x91: {  	s18 =	sld [smem:$0x3FFB];
	_ =	sdelay $0x3  }
0x92: {  	_ =	strace s18  }
0x93: {  	s3 =	sld [smem:$0x3FFC];
	_ =	sdelay $0x3  }
0x94: {  	_ =	strace s3  }
0x95: {  	s3 =	sld [smem:$0x3FFD];
	_ =	sdelay $0x3  }
0x96: {  	_ =	strace s3  }
0x97: {  	_ =	strace $0x8FFFFFFF  }
0x98: {  	s19 =	sld [smem:$0x3FDB];
	_ =	sdelay $0x1  }
0x99: {  	s4 =	simm.s32 $_scs_section_size  }
0x9a: {  	s5 =	simm.s32 $_size__tile_overlayer_lowered;
	s6 =	simm.s32 $_tile_overlayer_lowered  }
0x9b: {  	s22 =	simm.s32 $0x1BFF;
	s21 =	sshll.u32 s6, $0x1;
	s3 =	sadd.s32 s4, s19  }
0x9c: {  	s7 =	simm.s32 $0x0;
	s20 =	sshll.u32 s5, $0x1;
	s5 =	sadd.s32 s21, s3  }
0x9d: {  	[timem:s7], [sflag:s22] =	dma.local [hbm:s5], s20  }
0x9e: {  	_ =	swait.ge [sflag:s22], s20  }
0x9f: {  	s4 =	ssub.s32 $0x0, s20;
	[sflag:s22] =	ssyncset.done $0x0  }
0xa0: {  	[sflag:s22] =	ssyncadd.s32 s4;
	_ =	sdelay $0x1  }
0xa1: {  	s23 =	simm.s32 $0x1B8B  }
0xa2: {  	_ =	swait.ge [sflag:s23], $0x1  }
0xa3: {  	[sflag:s23] =	ssyncset.done $0x0  }
0xa4: {  	s25 =	simm.s32 $0x1B8E;
	s24 =	sld [smem:$0x3FFE];
	[sflag:s23] =	ssyncadd.s32 $0xFFFFFFFF  }
0xa5: {  	s26 =	simm.s32 $execute0_lowered;
	[smem:$0x3FD2] =	sst s25  }
0xa6: {  	s5 =	sshll.u32 s26, $0x1;
	_ =	strace $0x80000046;
	[dreg:$0x1] =	wrdreg $0xFFFFFFFF  }
0xa7: {  	s28 =	simm.s32 $_size_execute0_lowered;
	s3 =	sadd.s32 s3, s5;
	[dreg:$0x0] =	wrdreg $0x0  }
0xa8: {  	s5 =	sshll.u32 s28, $0x1;
	[dreg:$0x2] =	wrdreg s3  }
0xa9: {  	[dreg:$0x3] =	wrdreg s5  }
0xaa: {  	[dreg:$0x4] =	wrdreg $0xC0  }
0xab: {  	_ =	task [dreg:s7], $0x5FFFF  }
0xac: {  	[dreg:$0x1] =	wrdreg $0xFFFFFFFF  }
0xad: {  	[dreg:$0x0] =	wrdreg $0x60  }
0xae: {  	[dreg:$0x2] =	wrdreg s24  }
0xaf: {  	[dreg:$0x3] =	wrdreg s2  }
0xb0: {  	[dreg:$0x4] =	wrdreg $0x9  }
0xb1: {  	_ =	task.clear_ibuf [dreg:s7], $0x5FFFF;
	_ =	strace $0x90000046  }
0xb2: {  	s29 =	simm.s32 $0x9;
	_ =	strace $0x80000048  }
0xb3: {  	_ =	swait.ge [sflag:s29], $0x1  }
0xb4: {  	[sflag:s29] =	ssyncadd.s32 $0xFFFFFFFF  }
0xb5: {  	_ =	strace $0x90000048  }
0xb6: {  	_ =	sfence  }
0xb7: {  	s30 =	sld [smem:$0x0];
	_ =	sdelay $0x2  }
0xb8: {  	s31 =	sshll.u32 s1, $0xD;
	s1 =	sshrl.u32 s1, $0x2  }
0xb9: {  	s3 =	sand.u32 $0x4000, s31;
	s1 =	sadd.s32 s1, s30  }
0xba: {  	s0 =	sor.u32 s3, s0;
	s1 =	sshll.u32 s1, $0x11  }
0xbb: {  	s0 =	sor.u32 s1, s0  }
0xbc: {  	s0 =	sadd.s32 $0x8F2B, s0  }
0xbd: {  	[sflag:s0] =	ssyncadd.remote.s32 $0x1  }
0xbe: {  	_ =	sfence.sel $0xFFFF  }
0xbf: {  	[dreg:$0x0] =	wrdreg $0xFFFFFFFF;
	(pc) =	sbr.abs _section_cstart, $3  }
0xc0: {  	[dreg:$0x1] =	wrdreg $0xFFFFFFFF  }
0xc1: {  	_ =	task.clear_ibuf [dreg:s7], $0x2FFFF;
	_ =	strace $0x9FFFFFFF  }
0xc2: {  	(tm) =	ssettm $0x7FFFFFFF  }
0xc3: {  	_ =	shalt  }
tec
execute0_lowered:
.L_overlay_start_1:
0x0: {  	(tag) =	ssettag $0x1  }
0x1: {  	s1 =	srdreg.scid;
	s3 =	rddreg [dreg:$0x0]  }
0x2: {  	s0 =	stileid.u32;
	s6 =	rddreg [dreg:$0x1];
	s2 =	simm.s32 $0x0  }
0x3: {  	s11 =	simm.s32 $0x8400;
	s12 =	simm.s32 $0xA400;
	s13 =	simm.s32 $0xC400  }
0x4: {  	s14 =	simm.s32 $0xE400;
	s15 =	simm.s32 $0x10400;
	s16 =	simm.s32 $0x12400  }
0x5: {  	s17 =	simm.s32 $0x14400;
	s18 =	simm.s32 $0x1;
	s5 =	smul.u32 $0x320000, s0  }
0x6: {  	s19 =	simm.s32 $0x2;
	s4 =	sand.u32 $0x1, s1;
	s8 =	smul.u32 $0xC800, s0  }
0x7: {  	s20 =	simm.s32 $0x0;
	s1 =	rddreg [dreg:$0x2];
	s7 =	smul.u32 $0x190000, s4  }
0x8: {  	s9 =	sshll.u32 s0, $0x1;
	[smem:$0x7FF] =	sst s2;
	s10 =	smul.u32 $0x6400, s4  }
0x9: {  	s9 =	sor.u32 s4, s9;
	_ =	strace $0x80000047;
	s4 =	ssub.s32 $0x2, s4  }
0xa: {  	s9 =	smul.u32 $0x6400, s9;
	s29 =	sshrl.u32 s4, $0x1;
	s5 =	sadd.s32 s7, s5  }
0xb: {  	s22 =	sadd.s32 s10, s8;
	s8 =	ssub.s32 s4, s29;
	s10 =	simm.s32 $0x6400  }
0xc: {  	s5 =	sshrl.u32 s5, $0x3;
	s7 =	sshll.u32 s22, $0x3;
	s23 =	sshrl.u32 s9, $0x3  }
0xd: {  	s9 =	simm.s32 $0x80;
	s5 =	sadd.s32 s5, s6;
	s7 =	sadd.s32 s7, s6  }
0xe: {  	s24 =	sadd.s32 s23, s3;
	[dreg:$0x3] =	wrdreg s5;
	s25 =	sadd.s32 $0x1800, s7  }
0xf: {  	s3 =	sadd.s32 $0xF42E00, s3;
	s26 =	sadd.s32 $0x1400, s7;
	[dreg:$0x4] =	wrdreg s25  }
0x10: {  	s28 =	sadd.s32 $0x1000, s7;
	s30 =	sadd.s32 $0xC00, s7;
	[dreg:$0x5] =	wrdreg s26  }
0x11: {  	s31 =	sadd.s32 $0x800, s7;
	s4 =	sadd.s32 $0xA00, s24;
	[dreg:$0x6] =	wrdreg s28  }
0x12: {  	s5 =	smax.u32 s8, $0x1;
	s6 =	sadd.s32 $0x400, s7;
	[dreg:$0x7] =	wrdreg s30  }
0x13: {  	s7 =	sadd.s32 $0x1C00, s7;
	s8 =	simm.s32 $0x3;
	[dreg:$0x8] =	wrdreg s31  }
.LBB2_1:
0x14: {  	[tilespmem:s2], [sflag:$0x3] =	stream.linear.gather [hbm4b:s4+s2], $0x6400, $0x38;
	[tilespmem:$0x16400] =	vst v63  }
0x15: {  	_ =	swait.ge [sflag:s8], $0x6400  }
0x16: {  	[sflag:s8] =	ssyncset.done $0x0  }
0x17: {  	[sflag:s8] =	ssyncadd.s32 $0xFFFF9C00  }
0x18: {  	[tilespmem:s10], [sflag:$0x1] =	stream.indirect.gather [hbm4b:s3+s9], $0x40, s2, s9, $0xb8;
	[tilespmem:$0x16400] =	vst v63  }
0x19: {  	s21 =	simm.s32 $0x80  }
0x1a: {  	[tilespmem:s11], [sflag:$0x1] =	stream.indirect.gather [hbm4b:s3+s9], $0x40, s21, s9, $0xb8;
	[tilespmem:$0x16400] =	vst v63  }
0x1b: {  	s26 =	simm.s32 $0x100  }
0x1c: {  	[tilespmem:s12], [sflag:$0x1] =	stream.indirect.gather [hbm4b:s3+s9], $0x40, s26, s9, $0xb8;
	[tilespmem:$0x16400] =	vst v63  }
0x1d: {  	s28 =	simm.s32 $0x180  }
0x1e: {  	[tilespmem:s13], [sflag:$0x1] =	stream.indirect.gather [hbm4b:s3+s9], $0x40, s28, s9, $0xb8;
	[tilespmem:$0x16400] =	vst v63  }
0x1f: {  	s29 =	simm.s32 $0x200  }
0x20: {  	[tilespmem:s14], [sflag:$0x1] =	stream.indirect.gather [hbm4b:s3+s9], $0x40, s29, s9, $0xb8;
	[tilespmem:$0x16400] =	vst v63  }
0x21: {  	s30 =	simm.s32 $0x280  }
0x22: {  	[tilespmem:s15], [sflag:$0x1] =	stream.indirect.gather [hbm4b:s3+s9], $0x40, s30, s9, $0xb8;
	[tilespmem:$0x16400] =	vst v63  }
0x23: {  	s31 =	simm.s32 $0x300  }
0x24: {  	[tilespmem:s16], [sflag:$0x1] =	stream.indirect.gather [hbm4b:s3+s9], $0x40, s31, s9, $0xb8;
	[tilespmem:$0x16400] =	vst v63  }
0x25: {  	s22 =	simm.s32 $0x380  }
0x26: {  	[tilespmem:s17], [sflag:$0x1] =	stream.indirect.gather [hbm4b:s3+s9], $0x40, s22, s9, $0xb8;
	[tilespmem:$0x16400] =	vst v63  }
0x27: {  	_ =	swait.ge [sflag:s18], $0x2000  }
0x28: {  	s23 =	rddreg [dreg:$0x3];
	[sflag:s18] =	ssyncset.done $0x0  }
0x29: {  	[sflag:s18] =	ssyncadd.s32 $0xFFFFE000;
	s21 =	sadd.s32 $0x0, s23  }
0x2a: {  	[hbm4b:s21+s2] =	stream.linear.scatter [tilespmem:s10], [sflag:$0x2], $0x2000, $0x38;
	[tilespmem:$0x16400] =	vst v63  }
0x2b: {  	_ =	swait.ge [sflag:s18], $0x2000  }
0x2c: {  	[sflag:s18] =	ssyncset.done $0x0  }
0x2d: {  	s24 =	sadd.s32 $0x0, s6;
	[sflag:s18] =	ssyncadd.s32 $0xFFFFE000  }
0x2e: {  	[hbm4b:s24+s2] =	stream.linear.scatter [tilespmem:s11], [sflag:$0x2], $0x2000, $0x38;
	[tilespmem:$0x16400] =	vst v63  }
0x2f: {  	_ =	swait.ge [sflag:s18], $0x2000  }
0x30: {  	s25 =	rddreg [dreg:$0x8];
	[sflag:s18] =	ssyncset.done $0x0  }
0x31: {  	[sflag:s18] =	ssyncadd.s32 $0xFFFFE000;
	s21 =	sadd.s32 $0x0, s25  }
0x32: {  	[hbm4b:s21+s2] =	stream.linear.scatter [tilespmem:s12], [sflag:$0x2], $0x2000, $0x38;
	[tilespmem:$0x16400] =	vst v63  }
0x33: {  	_ =	swait.ge [sflag:s18], $0x2000  }
0x34: {  	s26 =	rddreg [dreg:$0x7];
	[sflag:s18] =	ssyncset.done $0x0  }
0x35: {  	[sflag:s18] =	ssyncadd.s32 $0xFFFFE000;
	s21 =	sadd.s32 $0x0, s26  }
0x36: {  	[hbm4b:s21+s2] =	stream.linear.scatter [tilespmem:s13], [sflag:$0x2], $0x2000, $0x38;
	[tilespmem:$0x16400] =	vst v63  }
0x37: {  	_ =	swait.ge [sflag:s18], $0x2000  }
0x38: {  	s28 =	rddreg [dreg:$0x6];
	[sflag:s18] =	ssyncset.done $0x0  }
0x39: {  	[sflag:s18] =	ssyncadd.s32 $0xFFFFE000;
	s21 =	sadd.s32 $0x0, s28  }
0x3a: {  	[hbm4b:s21+s2] =	stream.linear.scatter [tilespmem:s14], [sflag:$0x2], $0x2000, $0x38;
	[tilespmem:$0x16400] =	vst v63  }
0x3b: {  	_ =	swait.ge [sflag:s18], $0x2000  }
0x3c: {  	s29 =	rddreg [dreg:$0x5];
	[sflag:s18] =	ssyncset.done $0x0  }
0x3d: {  	[sflag:s18] =	ssyncadd.s32 $0xFFFFE000;
	s21 =	sadd.s32 $0x0, s29  }
0x3e: {  	[hbm4b:s21+s2] =	stream.linear.scatter [tilespmem:s15], [sflag:$0x2], $0x2000, $0x38;
	[tilespmem:$0x16400] =	vst v63  }
0x3f: {  	_ =	swait.ge [sflag:s18], $0x2000  }
0x40: {  	s30 =	rddreg [dreg:$0x4];
	[sflag:s18] =	ssyncset.done $0x0  }
0x41: {  	[sflag:s18] =	ssyncadd.s32 $0xFFFFE000;
	s21 =	sadd.s32 $0x0, s30  }
0x42: {  	[hbm4b:s21+s2] =	stream.linear.scatter [tilespmem:s16], [sflag:$0x2], $0x2000, $0x38;
	[tilespmem:$0x16400] =	vst v63  }
0x43: {  	_ =	swait.ge [sflag:s18], $0x2000  }
0x44: {  	[sflag:s18] =	ssyncset.done $0x0  }
0x45: {  	s31 =	sadd.s32 $0x0, s7;
	[sflag:s18] =	ssyncadd.s32 $0xFFFFE000  }
0x46: {  	[hbm4b:s31+s2] =	stream.linear.scatter [tilespmem:s17], [sflag:$0x2], $0x2000, $0x38;
	[tilespmem:$0x16400] =	vst v63  }
0x47: {  	_ =	swait.ge [sflag:s19], $0x2000  }
0x48: {  	[sflag:s19] =	ssyncset.done $0x0  }
0x49: {  	[sflag:s19] =	ssyncadd.s32 $0xFFFFE000  }
0x4a: {  	_ =	swait.ge [sflag:s19], $0x2000  }
0x4b: {  	[sflag:s19] =	ssyncset.done $0x0  }
0x4c: {  	[sflag:s19] =	ssyncadd.s32 $0xFFFFE000  }
0x4d: {  	_ =	swait.ge [sflag:s19], $0x2000  }
0x4e: {  	[sflag:s19] =	ssyncset.done $0x0  }
0x4f: {  	[sflag:s19] =	ssyncadd.s32 $0xFFFFE000  }
0x50: {  	_ =	swait.ge [sflag:s19], $0x2000  }
0x51: {  	[sflag:s19] =	ssyncset.done $0x0  }
0x52: {  	[sflag:s19] =	ssyncadd.s32 $0xFFFFE000  }
0x53: {  	_ =	swait.ge [sflag:s19], $0x2000  }
0x54: {  	[sflag:s19] =	ssyncset.done $0x0  }
0x55: {  	[sflag:s19] =	ssyncadd.s32 $0xFFFFE000  }
0x56: {  	_ =	swait.ge [sflag:s19], $0x2000  }
0x57: {  	[sflag:s19] =	ssyncset.done $0x0  }
0x58: {  	[sflag:s19] =	ssyncadd.s32 $0xFFFFE000  }
0x59: {  	_ =	swait.ge [sflag:s19], $0x2000  }
0x5a: {  	[sflag:s19] =	ssyncset.done $0x0  }
0x5b: {  	[sflag:s19] =	ssyncadd.s32 $0xFFFFE000  }
0x5c: {  	_ =	swait.ge [sflag:s19], $0x2000  }
0x5d: {  	s22 =	simm.s32 $0x0;
	s21 =	simm.s32 $0x2000;
	[sflag:s19] =	ssyncset.done $0x0  }
.LBB2_2:
0x5e: {  	[sflag:s19] =	ssyncadd.s32 $0xFFFFE000;
	s22 =	sadd.s32 $0x400, s22  }
0x5f: {  	[tilespmem:s10], [sflag:$0x1] =	stream.indirect.gather [hbm4b:s3+s9], $0x40, s22, s9, $0xb8;
	[tilespmem:$0x16400] =	vst v63  }
0x60: {  	s24 =	sadd.s32 $0x80, s22  }
0x61: {  	[tilespmem:s11], [sflag:$0x1] =	stream.indirect.gather [hbm4b:s3+s9], $0x40, s24, s9, $0xb8;
	[tilespmem:$0x16400] =	vst v63  }
0x62: {  	s31 =	sadd.s32 $0x100, s22  }
0x63: {  	[tilespmem:s12], [sflag:$0x1] =	stream.indirect.gather [hbm4b:s3+s9], $0x40, s31, s9, $0xb8;
	[tilespmem:$0x16400] =	vst v63  }
0x64: {  	s25 =	sadd.s32 $0x180, s22  }
0x65: {  	[tilespmem:s13], [sflag:$0x1] =	stream.indirect.gather [hbm4b:s3+s9], $0x40, s25, s9, $0xb8;
	[tilespmem:$0x16400] =	vst v63  }
0x66: {  	s26 =	sadd.s32 $0x200, s22  }
0x67: {  	[tilespmem:s14], [sflag:$0x1] =	stream.indirect.gather [hbm4b:s3+s9], $0x40, s26, s9, $0xb8;
	[tilespmem:$0x16400] =	vst v63  }
0x68: {  	s28 =	sadd.s32 $0x280, s22  }
0x69: {  	[tilespmem:s15], [sflag:$0x1] =	stream.indirect.gather [hbm4b:s3+s9], $0x40, s28, s9, $0xb8;
	[tilespmem:$0x16400] =	vst v63  }
0x6a: {  	s29 =	sadd.s32 $0x300, s22  }
0x6b: {  	[tilespmem:s16], [sflag:$0x1] =	stream.indirect.gather [hbm4b:s3+s9], $0x40, s29, s9, $0xb8;
	[tilespmem:$0x16400] =	vst v63  }
0x6c: {  	s30 =	sadd.s32 $0x380, s22  }
0x6d: {  	[tilespmem:s17], [sflag:$0x1] =	stream.indirect.gather [hbm4b:s3+s9], $0x40, s30, s9, $0xb8;
	[tilespmem:$0x16400] =	vst v63  }
0x6e: {  	_ =	swait.ge [sflag:s18], $0x2000  }
0x6f: {  	s23 =	smov.u32 s21;
	s31 =	rddreg [dreg:$0x3];
	[sflag:s18] =	ssyncset.done $0x0  }
0x70: {  	[sflag:s18] =	ssyncadd.s32 $0xFFFFE000;
	s24 =	sadd.s32 s23, s31  }
0x71: {  	[hbm4b:s24+s2] =	stream.linear.scatter [tilespmem:s10], [sflag:$0x2], $0x2000, $0x38;
	[tilespmem:$0x16400] =	vst v63  }
0x72: {  	_ =	swait.ge [sflag:s18], $0x2000  }
0x73: {  	[sflag:s18] =	ssyncset.done $0x0  }
0x74: {  	s25 =	sadd.s32 s23, s6;
	[sflag:s18] =	ssyncadd.s32 $0xFFFFE000  }
0x75: {  	[hbm4b:s25+s2] =	stream.linear.scatter [tilespmem:s11], [sflag:$0x2], $0x2000, $0x38;
	[tilespmem:$0x16400] =	vst v63  }
0x76: {  	_ =	swait.ge [sflag:s18], $0x2000  }
0x77: {  	s26 =	rddreg [dreg:$0x8];
	[sflag:s18] =	ssyncset.done $0x0  }
0x78: {  	[sflag:s18] =	ssyncadd.s32 $0xFFFFE000;
	s24 =	sadd.s32 s23, s26  }
0x79: {  	[hbm4b:s24+s2] =	stream.linear.scatter [tilespmem:s12], [sflag:$0x2], $0x2000, $0x38;
	[tilespmem:$0x16400] =	vst v63  }
0x7a: {  	_ =	swait.ge [sflag:s18], $0x2000  }
0x7b: {  	s28 =	rddreg [dreg:$0x7];
	[sflag:s18] =	ssyncset.done $0x0  }
0x7c: {  	[sflag:s18] =	ssyncadd.s32 $0xFFFFE000;
	s24 =	sadd.s32 s23, s28  }
0x7d: {  	[hbm4b:s24+s2] =	stream.linear.scatter [tilespmem:s13], [sflag:$0x2], $0x2000, $0x38;
	[tilespmem:$0x16400] =	vst v63  }
0x7e: {  	_ =	swait.ge [sflag:s18], $0x2000  }
0x7f: {  	s29 =	rddreg [dreg:$0x6];
	[sflag:s18] =	ssyncset.done $0x0  }
0x80: {  	[sflag:s18] =	ssyncadd.s32 $0xFFFFE000;
	s24 =	sadd.s32 s23, s29  }
0x81: {  	[hbm4b:s24+s2] =	stream.linear.scatter [tilespmem:s14], [sflag:$0x2], $0x2000, $0x38;
	[tilespmem:$0x16400] =	vst v63  }
0x82: {  	_ =	swait.ge [sflag:s18], $0x2000  }
0x83: {  	s30 =	rddreg [dreg:$0x5];
	[sflag:s18] =	ssyncset.done $0x0  }
0x84: {  	[sflag:s18] =	ssyncadd.s32 $0xFFFFE000;
	s24 =	sadd.s32 s23, s30  }
0x85: {  	[hbm4b:s24+s2] =	stream.linear.scatter [tilespmem:s15], [sflag:$0x2], $0x2000, $0x38;
	[tilespmem:$0x16400] =	vst v63  }
0x86: {  	_ =	swait.ge [sflag:s18], $0x2000  }
0x87: {  	s31 =	rddreg [dreg:$0x4];
	[sflag:s18] =	ssyncset.done $0x0  }
0x88: {  	[sflag:s18] =	ssyncadd.s32 $0xFFFFE000;
	s24 =	sadd.s32 s23, s31  }
0x89: {  	[hbm4b:s24+s2] =	stream.linear.scatter [tilespmem:s16], [sflag:$0x2], $0x2000, $0x38;
	[tilespmem:$0x16400] =	vst v63  }
0x8a: {  	_ =	swait.ge [sflag:s18], $0x2000  }
0x8b: {  	[sflag:s18] =	ssyncset.done $0x0  }
0x8c: {  	s23 =	sadd.s32 s23, s7;
	[sflag:s18] =	ssyncadd.s32 $0xFFFFE000  }
0x8d: {  	[hbm4b:s23+s2] =	stream.linear.scatter [tilespmem:s17], [sflag:$0x2], $0x2000, $0x38;
	[tilespmem:$0x16400] =	vst v63  }
0x8e: {  	_ =	swait.ge [sflag:s19], $0x2000  }
0x8f: {  	[sflag:s19] =	ssyncset.done $0x0  }
0x90: {  	[sflag:s19] =	ssyncadd.s32 $0xFFFFE000  }
0x91: {  	_ =	swait.ge [sflag:s19], $0x2000  }
0x92: {  	[sflag:s19] =	ssyncset.done $0x0  }
0x93: {  	[sflag:s19] =	ssyncadd.s32 $0xFFFFE000  }
0x94: {  	_ =	swait.ge [sflag:s19], $0x2000  }
0x95: {  	[sflag:s19] =	ssyncset.done $0x0  }
0x96: {  	[sflag:s19] =	ssyncadd.s32 $0xFFFFE000  }
0x97: {  	_ =	swait.ge [sflag:s19], $0x2000  }
0x98: {  	[sflag:s19] =	ssyncset.done $0x0  }
0x99: {  	[sflag:s19] =	ssyncadd.s32 $0xFFFFE000  }
0x9a: {  	_ =	swait.ge [sflag:s19], $0x2000  }
0x9b: {  	[sflag:s19] =	ssyncset.done $0x0  }
0x9c: {  	[sflag:s19] =	ssyncadd.s32 $0xFFFFE000  }
0x9d: {  	_ =	swait.ge [sflag:s19], $0x2000  }
0x9e: {  	[sflag:s19] =	ssyncset.done $0x0  }
0x9f: {  	p0 =	sne.s32 s21, $0x30000;
	[sflag:s19] =	ssyncadd.s32 $0xFFFFE000  }
.Ltmp0:
0xa0: {  	_ =	swait.ge [sflag:s19], $0x2000;
	(pc) =	sbr.rel @p0 .LBB2_2-.Ltmp0, $4  }
0xa1: {  	[sflag:s19] =	ssyncset.done $0x0  }
0xa2: {  	[sflag:s19] =	ssyncadd.s32 $0xFFFFE000  }
0xa3: {  	_ =	swait.ge [sflag:s19], $0x2000  }
0xa4: {  	s21 =	sadd.s32 $0x2000, s21;
	[sflag:s19] =	ssyncset.done $0x0  }
0xa5: {  	s20 =	sadd.s32 $0x1, s20  }
0xa6: {  	p0 =	sne.s32 s20, s5  }
.Ltmp1:
0xa7: {  	_ = 	snop;
	(pc) =	sbr.rel @p0 .LBB2_1-.Ltmp1, $2  }
0xa8: {  	_ =	sdelay $0x2  }
0xa9: {  	[sflag:s19] =	ssyncadd.s32 $0xFFFFE000  }
0xaa: {  	_ =	sfence.sel $0x180000  }
0xab: {  	[bflag:$0x0] =	sbarrier.arrive $0xFFFF  }
0xac: {  	p0 =	sne.s32 s0, $0x0;
	_ =	strace $0x90000047  }
0xad: {  	s0 =	sadd.s32 @!p0 $0x100000, s1;
	[bflag:$0x2] =	sbarrier.arrive $0xFFFF  }
0xae: {  	[sflag:s0] =	ssyncadd.tile.s32 @!p0 $0x1;
	_ =	shalt  }
.Lfunc_end2:
_tile_overlayer_lowered:
.L_overlay_start_2:
0xaf: {  	(tag) =	ssettag $0x2  }
0xb0: {  	s0 =	rddreg [dreg:$0x0];
	s2 =	stileid.u32  }
0xb1: {  	s1 =	rddreg [dreg:$0x1];
	p0 =	sne.s32 s2, $0x0  }
0xb2: {  	s3 =	rddreg [dreg:$0x2];
	[bflag:$0x3] =	sbarrier.arrive $0xFFFF;
	s2 =	simm.s32 @!p0 $0x1C03  }
0xb3: {  	[timem:s3], [sflag:s2] =	dma.local @!p0 [hbm:s0], s1  }
0xb4: {  	s0 =	simm.s32 @!p0 $0x3  }
0xb5: {  	_ =	swait.ge @!p0 [sflag:s0], s1  }
0xb6: {  	s1 =	ssub.s32 @!p0 $0x0, s1;
	[sflag:s0] =	ssyncset.done @!p0 $0x0  }
0xb7: {  	[sflag:s0] =	ssyncadd.s32 @!p0 s1  }
0xb8: {  	[bflag:$0x3] =	sbarrier.arrive $0xFFFF  }
0xb9: {  	_ =	shalt  }

// kernel: sparse-core-data-format-call.cloned.1.call-start
scs
called_computation_lowered:
.L_overlay_start_0:
0x0: {  	s2 =	sld [smem:$0x3FD9]  }
0x1: {  	s3 =	sld [smem:$0x3FFE];
	_ =	sdelay $0x1  }
0x2: {  	s1 =	srdreg.scid  }
0x3: {  	s0 =	sand.u32 $0x1, s1  }
0x4: {  	s18 =	sshll.u32 s0, $0xA;
	s2 =	sadd.s32 s3, s2  }
0x5: {  	s2 =	sadd.s32 s2, s18  }
0x6: {  	[smem:$0x3FC6] =	sst s2  }
0x7: {  	_ = 	snop  }
0x8: {  	s2 =	sld [smem:$0x3FD0];
	(tm) =	ssettm $0x1  }
0x9: {  	s19 =	sld [smem:$0x3FFB];
	_ =	sdelay $0x3  }
0xa: {  	_ =	strace s19  }
0xb: {  	s3 =	sld [smem:$0x3FFC];
	_ =	sdelay $0x3  }
0xc: {  	_ =	strace s3  }
0xd: {  	s3 =	sld [smem:$0x3FFD];
	_ =	sdelay $0x3  }
0xe: {  	_ =	strace s3  }
0xf: {  	_ =	strace $0x8FFFFFFF  }
0x10: {  	s20 =	sld [smem:$0x3FDB];
	_ =	sdelay $0x1  }
0x11: {  	s4 =	simm.s32 $_scs_section_size  }
0x12: {  	s5 =	simm.s32 $_size__tile_overlayer_lowered;
	s6 =	simm.s32 $_tile_overlayer_lowered  }
0x13: {  	s23 =	simm.s32 $0x1BFF;
	s22 =	sshll.u32 s6, $0x1;
	s3 =	sadd.s32 s4, s20  }
0x14: {  	s7 =	simm.s32 $0x0;
	s21 =	sshll.u32 s5, $0x1;
	s5 =	sadd.s32 s22, s3  }
0x15: {  	[timem:s7], [sflag:s23] =	dma.local [hbm:s5], s21  }
0x16: {  	_ =	swait.ge [sflag:s23], s21  }
0x17: {  	s4 =	ssub.s32 $0x0, s21;
	[sflag:s23] =	ssyncset.done $0x0  }
0x18: {  	[sflag:s23] =	ssyncadd.s32 s4;
	_ =	sdelay $0x1  }
0x19: {  	s24 =	simm.s32 $0x1B8B  }
0x1a: {  	_ =	swait.ge [sflag:s24], $0x1  }
0x1b: {  	[sflag:s24] =	ssyncset.done $0x0  }
0x1c: {  	s26 =	simm.s32 $0x1B8E;
	s25 =	sld [smem:$0x3FFE];
	[sflag:s24] =	ssyncadd.s32 $0xFFFFFFFF  }
0x1d: {  	s27 =	simm.s32 $execute0_lowered;
	[smem:$0x3FD2] =	sst s26  }
0x1e: {  	s5 =	sshll.u32 s27, $0x1;
	_ =	strace $0x80000049;
	[dreg:$0x1] =	wrdreg $0xFFFFFFFF  }
0x1f: {  	s28 =	simm.s32 $_size_execute0_lowered;
	s3 =	sadd.s32 s3, s5;
	[dreg:$0x0] =	wrdreg $0x0  }
0x20: {  	s5 =	sshll.u32 s28, $0x1;
	[dreg:$0x2] =	wrdreg s3  }
0x21: {  	[dreg:$0x3] =	wrdreg s5  }
0x22: {  	[dreg:$0x4] =	wrdreg $0xC0  }
0x23: {  	_ =	task [dreg:s7], $0x5FFFF  }
0x24: {  	[dreg:$0x1] =	wrdreg $0xFFFFFFFF  }
0x25: {  	[dreg:$0x0] =	wrdreg $0x60  }
0x26: {  	[dreg:$0x2] =	wrdreg s25  }
0x27: {  	[dreg:$0x3] =	wrdreg s2  }
0x28: {  	[dreg:$0x4] =	wrdreg $0x9  }
0x29: {  	_ =	task.clear_ibuf [dreg:s7], $0x5FFFF;
	_ =	strace $0x90000049  }
0x2a: {  	s29 =	simm.s32 $0x9;
	_ =	strace $0x8000004B  }
0x2b: {  	_ =	swait.ge [sflag:s29], $0x1  }
0x2c: {  	[sflag:s29] =	ssyncadd.s32 $0xFFFFFFFF  }
0x2d: {  	_ =	strace $0x9000004B  }
0x2e: {  	_ =	sfence  }
0x2f: {  	s30 =	sld [smem:$0x0];
	_ =	sdelay $0x2  }
0x30: {  	s31 =	sshll.u32 s1, $0xD;
	s1 =	sshrl.u32 s1, $0x2  }
0x31: {  	s3 =	sand.u32 $0x4000, s31;
	s1 =	sadd.s32 s1, s30  }
0x32: {  	s0 =	sor.u32 s3, s0;
	s1 =	sshll.u32 s1, $0x11  }
0x33: {  	s0 =	sor.u32 s1, s0  }
0x34: {  	s0 =	sadd.s32 $0x8F2B, s0  }
0x35: {  	[sflag:s0] =	ssyncadd.remote.s32 $0x1  }
0x36: {  	_ =	sfence.sel $0xFFFF  }
0x37: {  	[dreg:$0x0] =	wrdreg $0xFFFFFFFF;
	(pc) =	sbr.abs _section_cstart, $3  }
0x38: {  	[dreg:$0x1] =	wrdreg $0xFFFFFFFF  }
0x39: {  	_ =	task.clear_ibuf [dreg:s7], $0x2FFFF;
	_ =	strace $0x9FFFFFFF  }
0x3a: {  	(tm) =	ssettm $0x7FFFFFFF  }
0x3b: {  	_ =	shalt  }
tec
execute0_lowered:
.L_overlay_start_1:
0x0: {  	(tag) =	ssettag $0x1  }
0x1: {  	s0 =	srdreg.scid  }
0x2: {  	s1 =	sshll.u32 s0, $0x4  }
0x3: {  	s0 =	stileid.u32;
	s1 =	sand.u32 $0x10, s1  }
0x4: {  	s1 =	sor.u32 s0, s1  }
0x5: {  	s6 =	rddreg [dreg:$0x0];
	s4 =	simm.s32 $0x1;
	s2 =	sshll.u32 s1, $0x7  }
0x6: {  	s7 =	simm.s32 $0x2;
	s12 =	simm.s32 $0x0;
	s1 =	ssub.s32 $0x4000, s2  }
0x7: {  	s8 =	simm.s32 $0x20000;
	s13 =	simm.s32 $0x0;
	s3 =	sand.u32 $0xF80, s1  }
0x8: {  	s9 =	simm.s32 $0x0;
	s5 =	sshrl.u32 s1, $0xC;
	p0 =	sne.s32 s3, $0x0  }
.Ltmp0:
0x9: {  	s1 =	rddreg [dreg:$0x2];
	s4 =	simm.s32 @!p0 $0x0;
	(pc) =	sbr.rel .LBB1_1-.Ltmp0, $4  }
0xa: {  	s11 =	simm.s32 $0x0;
	s3 =	rddreg [dreg:$0x1];
	s5 =	sadd.s32 s4, s5  }
0xb: {  	_ =	strace $0x8000004A;
	s4 =	simm.s32 $0x1;
	s5 =	smul.u32 $0x32, s5  }
0xc: {  	s6 =	sadd.s32 $0xA00, s6;
	s10 =	smov.u32 s2;
	[sflag:s4] =	ssyncpa.u1 $0x0  }
0xd: {  	p0 =	por $0x0, $0x0;
	[sflag:s7] =	ssyncpa.u1 $0x0;
	s7 =	sor.u32 $0x1, s5  }
.LBB1_4:
0xe: {  	s16 =	sshll.u32 s13, $0x3;
	s17 =	sand.u32 $0x78, s13  }
0xf: {  	s30 =	sand.u32 $0x1F800, s13;
	s12 =	sshll.u32 s12, $0x11;
	s16 =	sand.u32 $0x3C00, s16  }
0x10: {  	[tilespmem:s15+$0x810 ss:$0x81] =	vst.msk $0xffff, v2;
	s31 =	sand.u32 $0x7, s13;
	s16 =	sor.u32 s17, s16;
	s17 =	sadd.s32 s3, s30  }
0x11: {  	[tilespmem:s15+$0x1020 ss:$0x81] =	vst.msk $0xffff, v0;
	s13 =	sshll.u32 s31, $0x12;
	s12 =	sadd.s32 s12, s17;
	s16 =	sshrl.u32 s16, $0x3  }
0x12: {  	[tilespmem:s15+$0x0 ss:$0x81] =	vst.msk $0xffff, v1;
	s13 =	sor.u32 $0x400, s13;
	s12 =	sadd.s32 s16, s12  }
0x13: {  	[hbm4b:s12+s13] =	stream.strided.scatter [tilespmem:s14], [sflag:$0x2], $0x2000, s8, s13, $0x20;
	[tilespmem:$0x8080] =	vst v63  }
.LBB1_5:
0x14: {  	s14 =	sadd.s32 $0x1, s9  }
0x15: {  	s12 =	sadd.s32 $0x1000, s10;
	s16 =	smov.u32 s10;
	p2 =	sgt.s32 s14, $0x31  }
0x16: {  	s16 =	smov.u32 @p2 s12  }
0x17: {  	s14 =	simm.s32 @p2 $0x0;
	p2 =	sgt.s32 s16, $0x3FFF  }
0x18: {  	s16 =	smov.u32 @p2 s2;
	p2 =	sne.s32 s11, s7  }
.Ltmp1:
0x19: {  	p1 =	slt.u32 s11, $0x2;
	(pc) =	sbr.rel @!p2 .LBB1_6-.Ltmp1, $4  }
0x1a: {  	s15 =	simm.s32 @!p1 $0x2  }
0x1b: {  	s13 =	smov.u32 s10;
	p0 =	por !p0, !p0;
	_ =	swait.ge @!p1 [sflag:s15], $0x2000  }
0x1c: {  	s12 =	smov.u32 s9;
	[sflag:s15] =	ssyncset.done @!p1 $0x0;
	s9 =	smov.u32 s14  }
0x1d: {  	s11 =	sadd.s32 $0x1, s11;
	[sflag:s15] =	ssyncadd.s32 @!p1 $0xFFFFE000;
	s10 =	smov.u32 s16  }
.LBB1_1:
0x1e: {  	p1 =	sge.u32 s11, s5  }
0x1f: {  	s14 =	sand.u32 @!p1 $0x1FFFFFF, s9  }
0x20: {  	s15 =	smulhi.u32 @!p1 $0x4924925, s14;
	_ =	sdelay $0x1  }
0x21: {  	s15 =	smul.u32 @!p1 $0x38, s15  }
0x22: {  	s16 =	sxor.u32 @!p1 $0xFFFFFFFF, s11;
	s17 =	smul.u32 @!p1 $0x380, s10  }
0x23: {  	s31 =	sadd.s32 $0xFFFFFFFF, s11;
	s16 =	sshll.u32 @!p1 s16, $0xD;
	s14 =	ssub.s32 @!p1 s14, s15  }
0x24: {  	s15 =	sand.u32 @!p1 $0x2000, s16;
	s16 =	sadd.s32 @!p1 s6, s17;
	s14 =	sshll.u32 @!p1 s14, $0x4  }
0x25: {  	s17 =	simm.s32 @!p1 $0x1C00;
	s14 =	sadd.s32 @!p1 s14, s16;
	s16 =	simm.s32 @!p1 $0x40  }
0x26: {  	[tilespmem:s15], [sflag:$0x1] =	stream.strided.gather @!p1 [hbm4b:s14+s16], $0x2000, s17, s16, $0x38;
	[tilespmem:$0x8080] =	vst v63  }
0x27: {  	p1 =	sge.u32 s31, s5  }
.Ltmp2:
0x28: {  	_ = 	snop;
	(pc) =	sbr.rel @p1 .LBB1_5-.Ltmp2, $1  }
0x29: {  	_ =	sdelay $0x3  }
0x2a: {  	s14 =	simm.s32 $0x1  }
0x2b: {  	_ =	swait.ge [sflag:s4], $0x2000;
	s14 =	simm.s32 @!p0 $0x0  }
0x2c: {  	[sflag:s4] =	ssyncset.done $0x0;
	s15 =	sshll.u32 s14, $0xD  }
0x2d: {  	[sflag:s4] =	ssyncadd.s32 $0xFFFFE000;
	s18 =	sor.u32 $0x20, s15  }
0x2e: {  	s14 =	smul.u32 $0x8100, s14;
	v3 =	vld [tilespmem:s18+$0x10]  }
0x2f: {  	s30 =	sand.u32 $0x1, s11;
	v2 =	vld [tilespmem:s18+$0xFFFFFFF0]  }
0x30: {  	s15 =	smul.u32 $0x8100, s30;
	s14 =	sshrl.u32 s14, $0x2;
	v0 =	vld [tilespmem:s18+$0x0]  }
0x31: {  	v1 =	vld [tilespmem:s18+$0xFFFFFFE0];
	s16 =	sor.u32 $0x4000, s14  }
0x32: {  	s31 =	sshrl.u32 s15, $0x2;
	s15 =	sadd.s32 $0x0, s16  }
0x33: {  	s17 =	simm.s32 $0x4;
	s18 =	sadd.s32 $0x40, s18;
	s14 =	sor.u32 $0x4000, s31;
	[tilespmem:s15+$0x1830 ss:$0x81] =	vst.msk $0xffff, v3  }
.LBB1_3:
0x34: {  	v3 =	vld [tilespmem:s18+$0x10];
	p1 =	sne.s32 s17, $0x1FC;
	[tilespmem:s15+$0x810 ss:$0x81] =	vst.msk $0xffff, v2;
	s19 =	smov.u32 s17;
	s17 =	sadd.s32 $0x4, s17  }
.Ltmp3:
0x35: {  	v2 =	vld [tilespmem:s18+$0xFFFFFFF0];
	[tilespmem:s15+$0x1020 ss:$0x81] =	vst.msk $0xffff, v0;
	(pc) =	sbr.rel @p1 .LBB1_3-.Ltmp3, $4  }
0x36: {  	v0 =	vld [tilespmem:s18+$0x0];
	[tilespmem:s15+$0x0 ss:$0x81] =	vst.msk $0xffff, v1  }
0x37: {  	s15 =	sshra.s32 s19, $0x2;
	v1 =	vld [tilespmem:s18+$0xFFFFFFE0]  }
0x38: {  	s15 =	sadd.s32 s15, s16  }
0x39: {  	s18 =	sadd.s32 $0x40, s18;
	[tilespmem:s15+$0x1830 ss:$0x81] =	vst.msk $0xffff, v3  }
.Ltmp4:
0x3a: {  	_ = 	snop;
	(pc) =	sbr.rel .LBB1_4-.Ltmp4, $1  }
0x3b: {  	_ =	sdelay $0x3  }
.LBB1_6:
0x3c: {  	_ =	sfence.sel $0x180000  }
0x3d: {  	s2 =	simm.s32 $0x1;
	[bflag:$0x0] =	sbarrier.arrive $0xFFFF  }
0x3e: {  	s31 =	simm.s32 $0x2;
	[sflag:s2] =	ssyncpa.u1 $0x1  }
0x3f: {  	[sflag:s31] =	ssyncpa.u1 $0x1  }
0x40: {  	p0 =	sne.s32 s0, $0x0;
	_ =	strace $0x9000004A  }
0x41: {  	s0 =	sadd.s32 @!p0 $0x100000, s1;
	[bflag:$0x2] =	sbarrier.arrive $0xFFFF  }
0x42: {  	[sflag:s0] =	ssyncadd.tile.s32 @!p0 $0x1;
	_ =	shalt  }
.Lfunc_end1:
_tile_overlayer_lowered:
.L_overlay_start_2:
0x43: {  	(tag) =	ssettag $0x2  }
0x44: {  	s0 =	rddreg [dreg:$0x0];
	s2 =	stileid.u32  }
0x45: {  	s1 =	rddreg [dreg:$0x1];
	p0 =	sne.s32 s2, $0x0  }
0x46: {  	s3 =	rddreg [dreg:$0x2];
	[bflag:$0x3] =	sbarrier.arrive $0xFFFF;
	s2 =	simm.s32 @!p0 $0x1C01  }
0x47: {  	[timem:s3], [sflag:s2] =	dma.local @!p0 [hbm:s0], s1  }
0x48: {  	s0 =	simm.s32 @!p0 $0x1  }
0x49: {  	_ =	swait.ge @!p0 [sflag:s0], s1  }
0x4a: {  	s1 =	ssub.s32 @!p0 $0x0, s1;
	[sflag:s0] =	ssyncset.done @!p0 $0x0  }
0x4b: {  	[sflag:s0] =	ssyncadd.s32 @!p0 s1  }
0x4c: {  	[bflag:$0x3] =	sbarrier.arrive $0xFFFF  }
0x4d: {  	_ =	shalt  }

</sc_bundles>
